<compile_context>
chip_gen: v7x
topology: tpu7x:2x2x1
jax: 0.10.2.dev20260603
libtpu: 0.0.44.dev20260713+nightly
codegen_flags: <defaults>
</compile_context>

<pallas_src>
import functools

import jax
import jax.numpy as jnp
from jax import lax
from jax.experimental import pallas as pl
from jax.experimental.pallas import tpu as pltpu
from jax.experimental.pallas import tpu_sc as plsc

_B = 4096
_T = 8192
_L = 16
_D = 1024
_ROW = _L * _D

_BT = 2048
_TT = 1024
_EPS = 1e-8

_NC = 2
_NS = 16
_NW = _NC * _NS
_RPW = _B // _NW


def _argmax_body(q_ref, k_ref, idx_ref, max_sc, idx_sc):
    t = pl.program_id(1)
    nt = pl.num_programs(1)

    @pl.when(t == 0)
    def _init():
        max_sc[...] = jnp.full((_BT,), -jnp.inf, jnp.float32)
        idx_sc[...] = jnp.zeros((_BT,), jnp.int32)

    k = k_ref[...]
    kn = jnp.maximum(jnp.sqrt(jnp.sum(k * k, axis=1)), _EPS)
    dots = lax.dot_general(q_ref[...], k, (((1,), (1,)), ((), ())),
                           preferred_element_type=jnp.float32)
    sims = dots / kn[None, :]
    local_max = jnp.max(sims, axis=1)
    cols = lax.broadcasted_iota(jnp.int32, (_BT, _TT), 1)
    masked = jnp.where(sims == local_max[:, None], cols, _TT)
    local_idx = jnp.min(masked, axis=1) + t * _TT
    better = local_max > max_sc[...]
    max_sc[...] = jnp.where(better, local_max, max_sc[...])
    idx_sc[...] = jnp.where(better, local_idx, idx_sc[...])

    @pl.when(t == nt - 1)
    def _emit():
        idx_ref[...] = idx_sc[...]


def _compute_indices(query, prompt_keys):
    return pl.pallas_call(
        _argmax_body,
        grid=(_B // _BT, _T // _TT),
        in_specs=[
            pl.BlockSpec((_BT, _D), lambda b, t: (b, 0)),
            pl.BlockSpec((_TT, _D), lambda b, t: (t, 0)),
        ],
        out_specs=pl.BlockSpec((_BT,), lambda b, t: (b,)),
        out_shape=jax.ShapeDtypeStruct((_B,), jnp.int32),
        scratch_shapes=[
            pltpu.VMEM((_BT,), jnp.float32),
            pltpu.VMEM((_BT,), jnp.int32),
        ],
    )(query, prompt_keys)


_NBUF = 4


def _gather_body(table_hbm, idx_hbm, out_hbm, idx_v, bufs, gsems, ssems):
    w = lax.axis_index("c") * _NS + lax.axis_index("s")
    pltpu.sync_copy(idx_hbm.at[w], idx_v)
    base = w * _RPW

    def _start_gather(j, b):
        pltpu.async_copy(table_hbm.at[idx_v.at[j]], bufs[b], gsems[b])

    def _wait_gather(j, b):
        pltpu.make_async_copy(table_hbm.at[idx_v.at[j]], bufs[b],
                              gsems[b]).wait()

    def _start_scatter(j, b):
        pltpu.async_copy(bufs[b], out_hbm.at[pl.ds(base + j, 1)], ssems[b])

    def _wait_scatter(j, b):
        pltpu.make_async_copy(bufs[b], out_hbm.at[pl.ds(base + j, 1)],
                              ssems[b]).wait()

    for b in range(_NBUF):
        _start_gather(b, b)

    def _group(g, carry):
        for b in range(_NBUF):
            j = g * _NBUF + b
            _wait_gather(j, b)
            _start_scatter(j, b)

        @pl.when(g < _RPW // _NBUF - 1)
        def _refill():
            for b in range(_NBUF):
                j = g * _NBUF + b
                _wait_scatter(j, b)
                _start_gather(j + _NBUF, b)

        return carry

    lax.fori_loop(0, _RPW // _NBUF, _group, 0)
    for b in range(_NBUF):
        _wait_scatter(_RPW - _NBUF + b, b)


@functools.cache
def _make_gather_rows():
    return functools.partial(
        pl.kernel,
        out_type=jax.ShapeDtypeStruct((_B, _ROW), jnp.float32),
        mesh=plsc.VectorSubcoreMesh(core_axis_name="c", subcore_axis_name="s"),
        scratch_types=[
            pltpu.VMEM((_RPW, 1), jnp.int32),
            tuple(pltpu.VMEM((1, _ROW), jnp.float32) for _ in range(_NBUF)),
            tuple(pltpu.SemaphoreType.DMA for _ in range(_NBUF)),
            tuple(pltpu.SemaphoreType.DMA for _ in range(_NBUF)),
        ],
    )(_gather_body)


def _probe_stream4_body(table_hbm, idx_hbm, out_hbm, idx_v, buf, sem):
    w = lax.axis_index("c") * _NS + lax.axis_index("s")
    pltpu.sync_copy(idx_hbm.at[w], idx_v)
    base = w * _RPW

    def _chunk(j, carry):
        pltpu.async_copy(table_hbm.at[idx_v.at[j]], buf, sem).wait()
        return carry

    lax.fori_loop(0, 32, _chunk, 0)
    pltpu.async_copy(buf, out_hbm.at[pl.ds(base, 4)], sem).wait()


@functools.cache
def _make_probe_stream4():
    return functools.partial(
        pl.kernel,
        out_type=jax.ShapeDtypeStruct((_B, _ROW), jnp.float32),
        mesh=plsc.VectorSubcoreMesh(core_axis_name="c", subcore_axis_name="s"),
        scratch_types=[
            pltpu.VMEM((32, 4), jnp.int32),
            pltpu.VMEM((4, _ROW), jnp.float32),
            pltpu.SemaphoreType.DMA,
        ],
    )(_probe_stream4_body)


def kernel(query, prompts, prompt_keys):
    idx = (jnp.arange(_B, dtype=jnp.int32) * 2 + query[0, 0].astype(jnp.int32)) % _T
    table = prompts.reshape(_T, _ROW)
    out = _make_probe_stream4()(table, idx.reshape(_NW, 32, 4))
    return out.reshape(_B, _L, _D)

# --- scband reference (transcript-rebuilt; emitter-appended) ---
"""Pipeline reference for scband-prompt-pool-10917806867259 (READ-ONLY COPY).

The authoritative reference and input builder live on the scoring server;
editing this copy changes nothing except your own understanding.
"""

import jax, jax.numpy as jnp
import numpy as np

NUM_TASKS = 8192
PROMPT_LENGTH = 16
EMBED_DIM = 1024
BATCH = 4096


def setup_inputs(seed: int = 0) -> dict:
    key = jax.random.key(seed)
    k1, k2, k3 = jax.random.split(key, 3)
    query = jax.random.normal(k1, (BATCH, EMBED_DIM), dtype=jnp.float32)
    prompts = jax.random.normal(k2, (NUM_TASKS, PROMPT_LENGTH, EMBED_DIM), dtype=jnp.float32)
    prompt_keys = jax.random.normal(k3, (NUM_TASKS, EMBED_DIM), dtype=jnp.float32)
    return {"query": query, "prompts": prompts, "prompt_keys": prompt_keys}


def reference(query, prompts, prompt_keys):
    # F.cosine_similarity(query.unsqueeze(1), prompt_keys.unsqueeze(0), dim=2)
    # torch semantics: x1.x2 / (max(||x1||, eps) * max(||x2||, eps)), eps=1e-8
    eps = 1e-8
    q_norm = jnp.maximum(jnp.linalg.norm(query, axis=1), eps)          # [B]
    k_norm = jnp.maximum(jnp.linalg.norm(prompt_keys, axis=1), eps)    # [T]
    sims = (query @ prompt_keys.T) / (q_norm[:, None] * k_norm[None, :])  # [B, T]
    selected_indices = jnp.argmax(sims, axis=1)                        # [B]
    selected_prompts = jnp.take(prompts, selected_indices, axis=0)     # [B, L, D]
    return selected_prompts

if __name__ == "__main__":
    import jax
    _d = setup_inputs()
    print(jax.jit(kernel)(*tuple(_d.values())))

</pallas_src>

<mosaic_0001>
#map = affine_map<(d0, d1) -> (0, 0)>
#map1 = affine_map<(d0, d1) -> (0, 0, 0)>
module attributes {stable_mosaic.version = 14 : i64} {
  func.func @_probe_stream4_body(%arg0: i32, %arg1: i32, %arg2: memref<8192x16384xf32, #tpu.memory_space<hbm>>, %arg3: memref<32x32x4xi32, #tpu.memory_space<hbm>>, %arg4: memref<4096x16384xf32, #tpu.memory_space<hbm>>, %arg5: memref<32x4xi32, #tpu.memory_space<vmem>>, %arg6: memref<4x16384xf32, #tpu.memory_space<vmem>>, %arg7: memref<!tpu.dma_semaphore, #tpu.memory_space<semaphore_mem>>) attributes {dimension_semantics = [#tpu.dimension_semantics<core_parallel>, #tpu.dimension_semantics<subcore_parallel>], iteration_bounds = array<i64: 2, 16>, scalar_prefetch = 0 : i64, scratch_operands = 3 : i64, tpu.core_type = #tpu.core_type<sc_vector_subcore>, window_params = [{transform_indices = #map}, {transform_indices = #map1}, {transform_indices = #map}]} {
    %mul3A = arith.constant 16 : i32
    %mul3A_0 = arith.muli %arg0, %mul3A : i32
    %add3A = arith.addi %mul3A_0, %arg1 : i32
    "tpu.region"() ({
      %run_scoped3A = tpu.sem_alloc : memref<!tpu.dma_semaphore, #tpu.memory_space<semaphore_mem>>
      %dma_start3A_14 = arith.constant 0 : i32
      %dma_start3A_15 = arith.constant 0 : i32
      %dma_start3A_16 = tpu.memref_slice %arg3[%add3A, %dma_start3A_14, %dma_start3A_15] : memref<32x32x4xi32, #tpu.memory_space<hbm>> -> memref<1x32x4xi32, #tpu.memory_space<hbm>>
      %dma_start3A_17 = tpu.memref_squeeze %dma_start3A_16 : memref<1x32x4xi32, #tpu.memory_space<hbm>> -> memref<32x4xi32, #tpu.memory_space<hbm>>
      %dma_start3A_18 = arith.constant 0 : i32
      %dma_start3A_19 = arith.constant 0 : i32
      %dma_start3A_20 = tpu.memref_slice %arg3[%add3A, %dma_start3A_18, %dma_start3A_19] : memref<32x32x4xi32, #tpu.memory_space<hbm>> -> memref<1x32x4xi32, #tpu.memory_space<hbm>>
      %dma_start3A_21 = tpu.memref_squeeze %dma_start3A_20 : memref<1x32x4xi32, #tpu.memory_space<hbm>> -> memref<32x4xi32, #tpu.memory_space<hbm>>
      tpu.enqueue_dma source(%dma_start3A_21 : memref<32x4xi32, #tpu.memory_space<hbm>>) target(%arg5 : memref<32x4xi32, #tpu.memory_space<vmem>>) target_semaphore(%run_scoped3A : memref<!tpu.dma_semaphore, #tpu.memory_space<semaphore_mem>>)
      %dma_wait3A_22 = arith.constant 0 : i32
      %dma_wait3A_23 = arith.constant 0 : i32
      %dma_wait3A_24 = tpu.memref_slice %arg3[%add3A, %dma_wait3A_22, %dma_wait3A_23] : memref<32x32x4xi32, #tpu.memory_space<hbm>> -> memref<1x32x4xi32, #tpu.memory_space<hbm>>
      %dma_wait3A_25 = tpu.memref_squeeze %dma_wait3A_24 : memref<1x32x4xi32, #tpu.memory_space<hbm>> -> memref<32x4xi32, #tpu.memory_space<hbm>>
      %dma_wait3A_26 = arith.constant 0 : i32
      %dma_wait3A_27 = arith.constant 0 : i32
      %dma_wait3A_28 = tpu.memref_slice %arg3[%add3A, %dma_wait3A_26, %dma_wait3A_27] : memref<32x32x4xi32, #tpu.memory_space<hbm>> -> memref<1x32x4xi32, #tpu.memory_space<hbm>>
      %dma_wait3A_29 = tpu.memref_squeeze %dma_wait3A_28 : memref<1x32x4xi32, #tpu.memory_space<hbm>> -> memref<32x4xi32, #tpu.memory_space<hbm>>
      tpu.wait_dma2 semaphore(%run_scoped3A : memref<!tpu.dma_semaphore, #tpu.memory_space<semaphore_mem>>) src(%dma_wait3A_29 : memref<32x4xi32, #tpu.memory_space<hbm>>) dst(%arg5 : memref<32x4xi32, #tpu.memory_space<vmem>>)
      tpu.yield
    }) : () -> ()
    %mul3A_1 = arith.constant 128 : i32
    %mul3A_2 = arith.muli %add3A, %mul3A_1 : i32
    %scan3A = arith.constant 0 : i32
    %scan3A_3 = arith.constant 0 : i32
    %scan3A_4 = arith.constant 32 : i32
    %scan3A_5 = arith.addi %scan3A_3, %scan3A_4 : i32
    %scan3A_6 = arith.constant 1 : i32
    scf.for %scan3A_14 = %scan3A_3 to %scan3A_5 step %scan3A_6  : i32 {
      %dma_start3A_15 = arith.constant 0 : i32
      %dma_start3A_16 = tpu.memref_slice %arg5[%scan3A_14, %dma_start3A_15] : memref<32x4xi32, #tpu.memory_space<vmem>> -> memref<1x4xi32, #tpu.memory_space<vmem>>
      %dma_start3A_17 = tpu.memref_squeeze %dma_start3A_16 : memref<1x4xi32, #tpu.memory_space<vmem>> -> memref<4xi32, #tpu.memory_space<vmem>>
      %dma_start3A_18 = arith.constant 0 : i32
      %dma_start3A_19 = arith.constant 0 : i32
      %dma_start3A_20 = tpu.memref_slice %arg2[%dma_start3A_18, %dma_start3A_19] : memref<8192x16384xf32, #tpu.memory_space<hbm>> -> memref<8192x16384xf32, #tpu.memory_space<hbm>>
      tpu.enqueue_indirect_dma source(%dma_start3A_20 : memref<8192x16384xf32, #tpu.memory_space<hbm>>) target(%arg6 : memref<4x16384xf32, #tpu.memory_space<vmem>>) offsets(%dma_start3A_17 : memref<4xi32, #tpu.memory_space<vmem>>) semaphore(%arg7 : memref<!tpu.dma_semaphore, #tpu.memory_space<semaphore_mem>>)
      %dma_wait3A_21 = arith.constant 0 : i32
      %dma_wait3A_22 = tpu.memref_slice %arg5[%scan3A_14, %dma_wait3A_21] : memref<32x4xi32, #tpu.memory_space<vmem>> -> memref<1x4xi32, #tpu.memory_space<vmem>>
      %dma_wait3A_23 = tpu.memref_squeeze %dma_wait3A_22 : memref<1x4xi32, #tpu.memory_space<vmem>> -> memref<4xi32, #tpu.memory_space<vmem>>
      %dma_wait3A_24 = arith.constant 0 : i32
      %dma_wait3A_25 = arith.constant 0 : i32
      %dma_wait3A_26 = tpu.memref_slice %arg2[%dma_wait3A_24, %dma_wait3A_25] : memref<8192x16384xf32, #tpu.memory_space<hbm>> -> memref<8192x16384xf32, #tpu.memory_space<hbm>>
      tpu.wait_indirect_dma semaphore(%arg7 : memref<!tpu.dma_semaphore, #tpu.memory_space<semaphore_mem>>) src(%dma_wait3A_26 : memref<8192x16384xf32, #tpu.memory_space<hbm>>) dst(%arg6 : memref<4x16384xf32, #tpu.memory_space<vmem>>)
    }
    %scan3A_7 = arith.constant 32 : i32
    %dma_start3A = arith.constant 0 : i32
    %dma_start3A_8 = tpu.memref_slice %arg4[%mul3A_2, %dma_start3A] : memref<4096x16384xf32, #tpu.memory_space<hbm>> -> memref<4x16384xf32, #tpu.memory_space<hbm>>
    %dma_start3A_9 = arith.constant 0 : i32
    %dma_start3A_10 = tpu.memref_slice %arg4[%mul3A_2, %dma_start3A_9] : memref<4096x16384xf32, #tpu.memory_space<hbm>> -> memref<4x16384xf32, #tpu.memory_space<hbm>>
    tpu.enqueue_dma source(%arg6 : memref<4x16384xf32, #tpu.memory_space<vmem>>) target(%dma_start3A_10 : memref<4x16384xf32, #tpu.memory_space<hbm>>) target_semaphore(%arg7 : memref<!tpu.dma_semaphore, #tpu.memory_space<semaphore_mem>>)
    %dma_wait3A = arith.constant 0 : i32
    %dma_wait3A_11 = tpu.memref_slice %arg4[%mul3A_2, %dma_wait3A] : memref<4096x16384xf32, #tpu.memory_space<hbm>> -> memref<4x16384xf32, #tpu.memory_space<hbm>>
    %dma_wait3A_12 = arith.constant 0 : i32
    %dma_wait3A_13 = tpu.memref_slice %arg4[%mul3A_2, %dma_wait3A_12] : memref<4096x16384xf32, #tpu.memory_space<hbm>> -> memref<4x16384xf32, #tpu.memory_space<hbm>>
    tpu.wait_dma2 semaphore(%arg7 : memref<!tpu.dma_semaphore, #tpu.memory_space<semaphore_mem>>) src(%arg6 : memref<4x16384xf32, #tpu.memory_space<vmem>>) dst(%dma_wait3A_13 : memref<4x16384xf32, #tpu.memory_space<hbm>>)
    return
  }
}

</mosaic_0001>

<sc_bundles>
// kernel: kernel.3.cloned.1.call-start
scs
__scs_entry_jumppad:
0x0: {  	(pc) =	sbr.rel $0x88, $3  }
0x1: {  	(tag) =	ssettag $0x0;
	lr =	simm.s32 $0x1  }
0x2: {  	[smem:$0x3F9F] =	sst lr;
	_ =	strace $0xD0000000  }
0x3: {  	_ = 	snop  }
0x4: {  	_ = 	snop  }
0x5: {  	_ = 	snop  }
0x6: {  	_ = 	snop  }
0x7: {  	_ = 	snop  }
__scs_overlays_trampoline_lowered:
0x8: {  	[smem:$0x3FAE] =	sst s0  }
0x9: {  	[smem:$0x3FAF] =	sst s1  }
0xa: {  	[smem:$0x3FB0] =	sst s2  }
0xb: {  	[smem:$0x3FB1] =	sst s3  }
0xc: {  	[smem:$0x3FB2] =	sst s4  }
0xd: {  	[smem:$0x3FB3] =	sst s5  }
0xe: {  	[smem:$0x3FB4] =	sst s6  }
0xf: {  	[smem:$0x3FB5] =	sst s7  }
0x10: {  	[smem:$0x3FB6] =	sst s8  }
0x11: {  	[smem:$0x3FB7] =	sst s9;
	s0 =	simm.s32 @!p0 $0x0  }
0x12: {  	s1 =	sld [smem:$0x3F9D];
	s0 =	simm.s32 @p0 $0x1  }
0x13: {  	[smem:$0x3FB8] =	sst s0;
	s0 =	simm.s32 @!p1 $0x0  }
0x14: {  	s2 =	sld [smem:$0x3F9C];
	s0 =	simm.s32 @p1 $0x1  }
0x15: {  	[smem:$0x3FB9] =	sst s0;
	s0 =	simm.s32 @!p2 $0x0  }
0x16: {  	s3 =	sld [smem:$0x3FDB];
	s0 =	simm.s32 @p2 $0x1  }
0x17: {  	s4 =	simm.s32 $0x1BF5;
	[smem:$0x3FBB] =	sst s0  }
0x18: {  	s0 =	sld [smem:$0x3F9E];
	_ =	swait.ge [sflag:s4], $0x0  }
0x19: {  	s7 =	sld [smem:$0x3F9F]  }
0x1a: {  	s8 =	sadd.s32 $0xFFFFE003, lr  }
0x1b: {  	s9 =	sadd.s32 $0xFFFFFEF7, lr;
	s5 =	simm.s32 $0xFFFFFFFF;
	p2 =	slt.u32 s8, $0xFFFFF086  }
0x1c: {  	p1 =	slt.u32 s9, $0xF7A;
	s5 =	simm.s32 @!p2 $0x0  }
0x1d: {  	s5 =	simm.s32 @p1 $0x1;
	p0 =	seq.s32 s7, s2  }
0x1e: {  	s7 =	smul.u32 @!p0 $0xF7A, s2;
	p2 =	seq.s32 @!p0 s5, $0x0  }
0x1f: {  	s9 =	smul.u32 $0xF7A, s1;
	s8 =	simm.s32 @!p0 $0x1BF5;
	p2 =	por !p2, p0  }
0x20: {  	[sflag:s8] =	ssyncset.s32 @!p0 $0xFFFFF086;
	s6 =	sadd.s32 @!p0 s3, s7;
	s7 =	simm.s32 @!p0 $0x108  }
0x21: {  	s3 =	sadd.s32 s3, s9;
	s6 =	sadd.s32 @!p0 $0x88, s6;
	s7 =	simm.s32 @p2 $0x1082  }
0x22: {  	[simem:s7], [sflag:s8] =	dma.local @!p0 [hbm:s6], $0xF7A  }
0x23: {  	s9 =	sor.u32 $0xD0000000, s2;
	s6 =	simm.s32 $0x108;
	_ =	swait.ge @!p0 [sflag:s8], $0x0  }
0x24: {  	s3 =	sadd.s32 $0x88, s3;
	s6 =	simm.s32 @!p1 $0x1082;
	[sflag:s4] =	ssyncset.s32 $0xFFFFF086  }
0x25: {  	[simem:s6], [sflag:s4] =	dma.local [hbm:s3], $0xF7A  }
0x26: {  	[smem:$0x3F9F] =	sst s1;
	(tag) =	ssettag s2;
	_ =	strace s9  }
0x27: {  	s1 =	sld [smem:$0x3FAF]  }
0x28: {  	s2 =	sld [smem:$0x3FB0]  }
0x29: {  	s4 =	sld [smem:$0x3FB2]  }
0x2a: {  	p0 =	seq.s32 s5, $0x0;
	s5 =	sld [smem:$0x3FB3]  }
0x2b: {  	s6 =	sld [smem:$0x3FB4]  }
0x2c: {  	s7 =	sld [smem:$0x3FB5]  }
0x2d: {  	s3 =	simm.s32 $0x108;
	s8 =	sld [smem:$0x3FB6]  }
0x2e: {  	s3 =	simm.s32 @!p0 $0x1082;
	s9 =	sld [smem:$0x3FB7]  }
0x2f: {  	lr =	sadd.s32 s0, s3;
	s0 =	sld [smem:$0x3FAE]  }
0x30: {  	s3 =	sld [smem:$0x3FB1]  }
0x31: {  	[smem:$0x3FBA] =	sst s10  }
0x32: {  	s10 =	sld [smem:$0x3FB8];
	_ =	sdelay $0x3  }
0x33: {  	p0 =	seq.s32 s10, $0x1;
	s10 =	sld [smem:$0x3FBA];
	_ =	sdelay $0x3  }
0x34: {  	[smem:$0x3FBA] =	sst s10  }
0x35: {  	s10 =	sld [smem:$0x3FB9];
	_ =	sdelay $0x3  }
0x36: {  	p1 =	seq.s32 s10, $0x1;
	s10 =	sld [smem:$0x3FBA];
	_ =	sdelay $0x3  }
0x37: {  	[smem:$0x3FBA] =	sst s10  }
0x38: {  	s10 =	sld [smem:$0x3FBB]  }
0x39: {  	_ = 	snop;
	(pc) =	sbr.ind lr, $3  }
0x3a: {  	_ = 	snop  }
0x3b: {  	_ = 	snop  }
0x3c: {  	p2 =	seq.s32 s10, $0x1;
	s10 =	sld [smem:$0x3FBA]  }
0x3d: {  	_ =	shalt  }
0x3e: {  	_ =	shalt  }
0x3f: {  	_ =	shalt  }
0x40: {  	_ =	shalt  }
0x41: {  	_ =	shalt  }
0x42: {  	_ =	shalt  }
0x43: {  	_ =	shalt  }
0x44: {  	_ =	shalt  }
0x45: {  	_ =	shalt  }
0x46: {  	_ =	shalt  }
0x47: {  	_ =	shalt  }
0x48: {  	_ =	shalt  }
0x49: {  	_ =	shalt  }
0x4a: {  	_ =	shalt  }
0x4b: {  	_ =	shalt  }
0x4c: {  	_ =	shalt  }
0x4d: {  	_ =	shalt  }
0x4e: {  	_ =	shalt  }
0x4f: {  	_ =	shalt  }
0x50: {  	_ =	shalt  }
0x51: {  	_ =	shalt  }
0x52: {  	_ =	shalt  }
0x53: {  	_ =	shalt  }
0x54: {  	_ =	shalt  }
0x55: {  	_ =	shalt  }
0x56: {  	_ =	shalt  }
0x57: {  	_ =	shalt  }
0x58: {  	_ =	shalt  }
0x59: {  	_ =	shalt  }
0x5a: {  	_ =	shalt  }
0x5b: {  	_ =	shalt  }
0x5c: {  	_ =	shalt  }
0x5d: {  	_ =	shalt  }
0x5e: {  	_ =	shalt  }
0x5f: {  	_ =	shalt  }
0x60: {  	_ =	shalt  }
0x61: {  	_ =	shalt  }
0x62: {  	_ =	shalt  }
0x63: {  	_ =	shalt  }
0x64: {  	_ =	shalt  }
0x65: {  	_ =	shalt  }
0x66: {  	_ =	shalt  }
0x67: {  	_ =	shalt  }
0x68: {  	_ =	shalt  }
0x69: {  	_ =	shalt  }
0x6a: {  	_ =	shalt  }
0x6b: {  	_ =	shalt  }
0x6c: {  	_ =	shalt  }
0x6d: {  	_ =	shalt  }
0x6e: {  	_ =	shalt  }
0x6f: {  	_ =	shalt  }
0x70: {  	_ =	shalt  }
0x71: {  	_ =	shalt  }
0x72: {  	_ =	shalt  }
0x73: {  	_ =	shalt  }
0x74: {  	_ =	shalt  }
0x75: {  	_ =	shalt  }
0x76: {  	_ =	shalt  }
0x77: {  	_ =	shalt  }
0x78: {  	_ =	shalt  }
0x79: {  	_ =	shalt  }
0x7a: {  	_ =	shalt  }
0x7b: {  	_ =	shalt  }
0x7c: {  	_ =	shalt  }
0x7d: {  	_ =	shalt  }
0x7e: {  	_ =	shalt  }
0x7f: {  	_ =	shalt  }
0x80: {  	_ =	shalt  }
0x81: {  	_ =	shalt  }
0x82: {  	_ =	shalt  }
0x83: {  	_ =	shalt  }
0x84: {  	_ =	shalt  }
0x85: {  	_ =	shalt  }
0x86: {  	_ =	shalt  }
0x87: {  	_ =	shalt  }
.Lfunc_end0:
.L_simem_size_0:
called_computation.2_lowered:
.L_overlay_start_0:
0x88: {  	s2 =	sld [smem:$0x3FD9]  }
0x89: {  	s3 =	sld [smem:$0x3FFE];
	_ =	sdelay $0x1  }
0x8a: {  	s1 =	srdreg.scid  }
0x8b: {  	s0 =	sand.u32 $0x1, s1  }
0x8c: {  	s17 =	sshll.u32 s0, $0xA;
	s2 =	sadd.s32 s3, s2  }
0x8d: {  	s2 =	sadd.s32 s2, s17  }
0x8e: {  	[smem:$0x3FC6] =	sst s2  }
0x8f: {  	_ = 	snop  }
0x90: {  	s2 =	sld [smem:$0x3FD0];
	(tm) =	ssettm $0x1  }
0x91: {  	s18 =	sld [smem:$0x3FFB];
	_ =	sdelay $0x3  }
0x92: {  	_ =	strace s18  }
0x93: {  	s3 =	sld [smem:$0x3FFC];
	_ =	sdelay $0x3  }
0x94: {  	_ =	strace s3  }
0x95: {  	s3 =	sld [smem:$0x3FFD];
	_ =	sdelay $0x3  }
0x96: {  	_ =	strace s3  }
0x97: {  	_ =	strace $0x8FFFFFFF  }
0x98: {  	s19 =	sld [smem:$0x3FDB];
	_ =	sdelay $0x1  }
0x99: {  	s4 =	simm.s32 $_scs_section_size  }
0x9a: {  	s5 =	simm.s32 $_size__tile_overlayer_lowered;
	s6 =	simm.s32 $_tile_overlayer_lowered  }
0x9b: {  	s22 =	simm.s32 $0x1BFF;
	s21 =	sshll.u32 s6, $0x1;
	s3 =	sadd.s32 s4, s19  }
0x9c: {  	s7 =	simm.s32 $0x0;
	s20 =	sshll.u32 s5, $0x1;
	s5 =	sadd.s32 s21, s3  }
0x9d: {  	[timem:s7], [sflag:s22] =	dma.local [hbm:s5], s20  }
0x9e: {  	_ =	swait.ge [sflag:s22], s20  }
0x9f: {  	s4 =	ssub.s32 $0x0, s20;
	[sflag:s22] =	ssyncset.done $0x0  }
0xa0: {  	[sflag:s22] =	ssyncadd.s32 s4;
	_ =	sdelay $0x1  }
0xa1: {  	s23 =	simm.s32 $0x1B8B  }
0xa2: {  	_ =	swait.ge [sflag:s23], $0x1  }
0xa3: {  	[sflag:s23] =	ssyncset.done $0x0  }
0xa4: {  	s25 =	simm.s32 $0x1B8E;
	s24 =	sld [smem:$0x3FFE];
	[sflag:s23] =	ssyncadd.s32 $0xFFFFFFFF  }
0xa5: {  	s26 =	simm.s32 $execute0_lowered;
	[smem:$0x3FD2] =	sst s25  }
0xa6: {  	s5 =	sshll.u32 s26, $0x1;
	_ =	strace $0x80000049;
	[dreg:$0x1] =	wrdreg $0xFFFFFFFF  }
0xa7: {  	s28 =	simm.s32 $_size_execute0_lowered;
	s3 =	sadd.s32 s3, s5;
	[dreg:$0x0] =	wrdreg $0x0  }
0xa8: {  	s5 =	sshll.u32 s28, $0x1;
	[dreg:$0x2] =	wrdreg s3  }
0xa9: {  	[dreg:$0x3] =	wrdreg s5  }
0xaa: {  	[dreg:$0x4] =	wrdreg $0xC0  }
0xab: {  	_ =	task [dreg:s7], $0x5FFFF  }
0xac: {  	[dreg:$0x1] =	wrdreg $0xFFFFFFFF  }
0xad: {  	[dreg:$0x0] =	wrdreg $0x60  }
0xae: {  	[dreg:$0x2] =	wrdreg s24  }
0xaf: {  	[dreg:$0x3] =	wrdreg s2  }
0xb0: {  	[dreg:$0x4] =	wrdreg $0x9  }
0xb1: {  	_ =	task.clear_ibuf [dreg:s7], $0x5FFFF;
	_ =	strace $0x90000049  }
0xb2: {  	s29 =	simm.s32 $0x9;
	_ =	strace $0x8000004B  }
0xb3: {  	_ =	swait.ge [sflag:s29], $0x1  }
0xb4: {  	[sflag:s29] =	ssyncadd.s32 $0xFFFFFFFF  }
0xb5: {  	_ =	strace $0x9000004B  }
0xb6: {  	_ =	sfence  }
0xb7: {  	s30 =	sld [smem:$0x0];
	_ =	sdelay $0x2  }
0xb8: {  	s31 =	sshll.u32 s1, $0xD;
	s1 =	sshrl.u32 s1, $0x2  }
0xb9: {  	s3 =	sand.u32 $0x4000, s31;
	s1 =	sadd.s32 s1, s30  }
0xba: {  	s0 =	sor.u32 s3, s0;
	s1 =	sshll.u32 s1, $0x11  }
0xbb: {  	s0 =	sor.u32 s1, s0  }
0xbc: {  	s0 =	sadd.s32 $0x8F2B, s0  }
0xbd: {  	[sflag:s0] =	ssyncadd.remote.s32 $0x1  }
0xbe: {  	_ =	sfence.sel $0xFFFF  }
0xbf: {  	[dreg:$0x0] =	wrdreg $0xFFFFFFFF;
	(pc) =	sbr.abs _section_cstart, $3  }
0xc0: {  	[dreg:$0x1] =	wrdreg $0xFFFFFFFF  }
0xc1: {  	_ =	task.clear_ibuf [dreg:s7], $0x2FFFF;
	_ =	strace $0x9FFFFFFF  }
0xc2: {  	(tm) =	ssettm $0x7FFFFFFF  }
0xc3: {  	_ =	shalt  }
tec
execute0_lowered:
.L_overlay_start_1:
0x0: {  	(tag) =	ssettag $0x1  }
0x1: {  	s2 =	rddreg [dreg:$0x0]  }
0x2: {  	s0 =	rddreg [dreg:$0x1];
	s1 =	simm.s32 $0x0  }
0x3: {  	[smem:$0x7FF] =	sst s1;
	s3 =	sadd.s32 $0xC00, s2  }
0x4: {  	s11 =	sadd.s32 $0xE00, s2;
	_ =	strace $0x8000004A;
	[dreg:$0x3] =	wrdreg s3  }
0x5: {  	s12 =	sadd.s32 $0x1000, s2;
	[dreg:$0x4] =	wrdreg s11  }
0x6: {  	s13 =	sadd.s32 $0x1200, s2;
	[dreg:$0x5] =	wrdreg s12  }
0x7: {  	s14 =	sadd.s32 $0x1400, s2;
	[dreg:$0x6] =	wrdreg s13  }
0x8: {  	s15 =	sadd.s32 $0x1600, s2;
	[dreg:$0x7] =	wrdreg s14  }
0x9: {  	s16 =	sadd.s32 $0x1800, s2;
	[dreg:$0x8] =	wrdreg s15  }
0xa: {  	s17 =	sadd.s32 $0x1A00, s2;
	[dreg:$0x9] =	wrdreg s16  }
0xb: {  	s18 =	sadd.s32 $0x1C00, s2;
	[dreg:$0xa] =	wrdreg s17  }
0xc: {  	s19 =	sadd.s32 $0x1E00, s2;
	[dreg:$0xb] =	wrdreg s18  }
0xd: {  	s20 =	sadd.s32 $0x2000, s2;
	[dreg:$0xc] =	wrdreg s19  }
0xe: {  	s21 =	sadd.s32 $0x2200, s2;
	[dreg:$0xd] =	wrdreg s20  }
0xf: {  	s22 =	sadd.s32 $0x2400, s2;
	[dreg:$0xe] =	wrdreg s21  }
0x10: {  	s23 =	sadd.s32 $0x2600, s2;
	[dreg:$0xf] =	wrdreg s22  }
0x11: {  	s24 =	sadd.s32 $0x2800, s2;
	[dreg:$0x10] =	wrdreg s23  }
0x12: {  	s25 =	sadd.s32 $0x2A00, s2;
	[dreg:$0x11] =	wrdreg s24  }
0x13: {  	s26 =	sadd.s32 $0x2C00, s2;
	[dreg:$0x12] =	wrdreg s25  }
0x14: {  	s4 =	sadd.s32 $0x2E00, s2;
	[dreg:$0x13] =	wrdreg s26  }
0x15: {  	s5 =	sadd.s32 $0x3000, s2;
	[dreg:$0x14] =	wrdreg s4  }
0x16: {  	s6 =	sadd.s32 $0x3200, s2;
	[dreg:$0x15] =	wrdreg s5  }
0x17: {  	s7 =	sadd.s32 $0x3400, s2;
	[dreg:$0x16] =	wrdreg s6  }
0x18: {  	s8 =	sadd.s32 $0x3600, s2;
	[dreg:$0x17] =	wrdreg s7  }
0x19: {  	s9 =	sadd.s32 $0x3800, s2;
	[dreg:$0x18] =	wrdreg s8  }
0x1a: {  	s10 =	sadd.s32 $0x3A00, s2;
	[dreg:$0x19] =	wrdreg s9  }
0x1b: {  	[dreg:$0x1a] =	wrdreg s10;
	s11 =	sadd.s32 $0x3C00, s2  }
0x1c: {  	s12 =	sadd.s32 $0x3E00, s2;
	[dreg:$0x1b] =	wrdreg s11  }
0x1d: {  	s28 =	simm.s32 $0xE000;
	s13 =	sadd.s32 $0x4000, s2;
	[dreg:$0x1c] =	wrdreg s12  }
0x1e: {  	s29 =	simm.s32 $0xE800;
	s14 =	sadd.s32 $0x4200, s2;
	[dreg:$0x1d] =	wrdreg s13  }
0x1f: {  	s30 =	simm.s32 $0xF000;
	s15 =	sadd.s32 $0x4400, s2;
	[dreg:$0x1e] =	wrdreg s14  }
0x20: {  	s31 =	simm.s32 $0xF800;
	s16 =	sadd.s32 $0x4600, s2;
	[dreg:$0x1f] =	wrdreg s15  }
0x21: {  	s4 =	srdreg.scid;
	s17 =	sadd.s32 $0x4800, s2;
	[smem:$0x7F2] =	sst s16  }
0x22: {  	s6 =	stileid.u32;
	s19 =	simm.s32 $0x1800;
	[smem:$0x7F3] =	sst s17  }
0x23: {  	s20 =	simm.s32 $0x2000;
	s22 =	simm.s32 $0x2800;
	[smem:$0x7F6] =	sst s19  }
0x24: {  	s24 =	simm.s32 $0x3000;
	s25 =	simm.s32 $0x3800;
	[smem:$0x7F8] =	sst s20  }
0x25: {  	s26 =	simm.s32 $0x4000;
	s8 =	simm.s32 $0x4800;
	[smem:$0x7FA] =	sst s22  }
0x26: {  	s9 =	simm.s32 $0x5000;
	s10 =	simm.s32 $0x5800;
	[smem:$0x7FB] =	sst s24  }
0x27: {  	s3 =	simm.s32 $0x1;
	s4 =	sand.u32 $0x1, s4;
	[smem:$0x7FC] =	sst s25  }
0x28: {  	[smem:$0x7FD] =	sst s26;
	s11 =	simm.s32 $0x6000;
	s12 =	simm.s32 $0x6800  }
0x29: {  	s13 =	simm.s32 $0x7000;
	s14 =	simm.s32 $0x7800;
	s15 =	simm.s32 $0x8000  }
0x2a: {  	s16 =	simm.s32 $0x8800;
	s17 =	simm.s32 $0x9000;
	s19 =	simm.s32 $0xA000  }
0x2b: {  	s20 =	simm.s32 $0xA800;
	s22 =	simm.s32 $0xB800;
	s24 =	simm.s32 $0xC800  }
0x2c: {  	s25 =	simm.s32 $0xD000;
	s5 =	sshll.u32 s4, $0x4;
	s4 =	ssub.s32 $0x2, s4  }
0x2d: {  	s26 =	simm.s32 $0xD800;
	s5 =	sor.u32 s6, s5;
	s7 =	sshrl.u32 s4, $0x1  }
0x2e: {  	s6 =	sshll.u32 s5, $0x12;
	s4 =	ssub.s32 s4, s7;
	s18 =	sshll.u32 s5, $0x9  }
0x2f: {  	s5 =	simm.s32 $0x0;
	s6 =	sadd.s32 s6, s2;
	s2 =	sadd.s32 $0x4A00, s2  }
0x30: {  	s0 =	sadd.s32 s0, s18;
	s23 =	smax.u32 s4, $0x1;
	[smem:$0x7F4] =	sst s2  }
0x31: {  	v0 =	vlaneseq.u32;
	s18 =	simm.s32 $0x9800;
	[smem:$0x7F5] =	sst s0;
	s21 =	sadd.s32 $0x1000C00, s6  }
0x32: {  	v1 =	vshrl.u32 v0, $0x2;
	[smem:$0x7F9] =	sst s23;
	s23 =	simm.s32 $0xC000;
	s0 =	simm.s32 $0x10000  }
0x33: {  	vm0 =	vmmov $0xffff;
	v0 =	vand.u32 $0x3, v0;
	v1 =	vmul.u32 $0x8, v1;
	s2 =	simm.s32 $0x10800;
	[smem:$0x7F7] =	sst s21;
	s21 =	simm.s32 $0xB000  }
.LBB2_1:
0x34: {  	s4 =	sld [smem:$0x7F5];
	_ =	sdelay $0x1  }
0x35: {  	[smem:$0x7F0] =	sst s5;
	s7 =	simm.s32 $0x2  }
0x36: {  	[tilespmem:s1], [sflag:$0x2] =	stream.linear.gather [hbm4b:s4+s1], $0x1000, $0x38;
	[tilespmem:$0x11000] =	vst v63  }
0x37: {  	_ =	swait.ge [sflag:s7], $0x1000  }
0x38: {  	[sflag:s7] =	ssyncset.done $0x0  }
0x39: {  	s4 =	simm.s32 $0x0;
	[sflag:s7] =	ssyncadd.s32 $0xFFFFF000  }
0x3a: {  	v2 =	vld.msk [tilespmem:s4+$0x0], $0xf;
	_ =	sdelay $0x4  }
0x3b: {  	v3 =	vshll.u32 v2, $0x7  }
0x3c: {  	v2 =	vand.u32 $0x7, v2;
	v3 =	vand.u32 $0xFFFFFC00, v3  }
0x3d: {  	v2 =	vor.u32 v2, v3  }
0x3e: {  	v2 =	vperm.xlane v2, v0;
	_ =	sdelay $0x1  }
0x3f: {  	s6 =	sld [smem:$0x7F8];
	v2 =	vadd.s32 v1, v2  }
0x40: {  	s5 =	sld [smem:$0x7F6]  }
0x41: {  	s4 =	rddreg [dreg:$0x4]  }
0x42: {  	[smem:$0x7F1] =	sst s6  }
0x43: {  	s7 =	simm.s32 $0x1000;
	s6 =	rddreg [dreg:$0x3]  }
0x44: {  	[tilespmem:s7], [sflag:$0x1] =	stream.indirect_vreg.gather [hbm4b:s6+s1], $0x80, v2, vm0, $0xb8;
	[tilespmem:$0x11000] =	vst v63  }
0x45: {  	s6 =	rddreg [dreg:$0x5]  }
0x46: {  	[tilespmem:s5], [sflag:$0x1] =	stream.indirect_vreg.gather [hbm4b:s4+s1], $0x80, v2, vm0, $0xb8;
	[tilespmem:$0x11000] =	vst v63  }
0x47: {  	s4 =	sld [smem:$0x7F1]  }
0x48: {  	s7 =	sld [smem:$0x7FA]  }
0x49: {  	s5 =	rddreg [dreg:$0x6]  }
0x4a: {  	[tilespmem:s4], [sflag:$0x1] =	stream.indirect_vreg.gather [hbm4b:s6+s1], $0x80, v2, vm0, $0xb8;
	[tilespmem:$0x11000] =	vst v63  }
0x4b: {  	s6 =	sld [smem:$0x7FB]  }
0x4c: {  	s4 =	rddreg [dreg:$0x7]  }
0x4d: {  	[tilespmem:s7], [sflag:$0x1] =	stream.indirect_vreg.gather [hbm4b:s5+s1], $0x80, v2, vm0, $0xb8;
	[tilespmem:$0x11000] =	vst v63  }
0x4e: {  	s7 =	sld [smem:$0x7FC]  }
0x4f: {  	s5 =	rddreg [dreg:$0x8]  }
0x50: {  	[tilespmem:s6], [sflag:$0x1] =	stream.indirect_vreg.gather [hbm4b:s4+s1], $0x80, v2, vm0, $0xb8;
	[tilespmem:$0x11000] =	vst v63  }
0x51: {  	s4 =	sld [smem:$0x7FD]  }
0x52: {  	s6 =	rddreg [dreg:$0x9]  }
0x53: {  	[tilespmem:s7], [sflag:$0x1] =	stream.indirect_vreg.gather [hbm4b:s5+s1], $0x80, v2, vm0, $0xb8;
	[tilespmem:$0x11000] =	vst v63  }
0x54: {  	s7 =	rddreg [dreg:$0xa]  }
0x55: {  	[tilespmem:s4], [sflag:$0x1] =	stream.indirect_vreg.gather [hbm4b:s6+s1], $0x80, v2, vm0, $0xb8;
	[tilespmem:$0x11000] =	vst v63  }
0x56: {  	s6 =	rddreg [dreg:$0xb]  }
0x57: {  	[tilespmem:s8], [sflag:$0x1] =	stream.indirect_vreg.gather [hbm4b:s7+s1], $0x80, v2, vm0, $0xb8;
	[tilespmem:$0x11000] =	vst v63  }
0x58: {  	s7 =	rddreg [dreg:$0xc]  }
0x59: {  	[tilespmem:s9], [sflag:$0x1] =	stream.indirect_vreg.gather [hbm4b:s6+s1], $0x80, v2, vm0, $0xb8;
	[tilespmem:$0x11000] =	vst v63  }
0x5a: {  	s8 =	rddreg [dreg:$0xd]  }
0x5b: {  	[tilespmem:s10], [sflag:$0x1] =	stream.indirect_vreg.gather [hbm4b:s7+s1], $0x80, v2, vm0, $0xb8;
	[tilespmem:$0x11000] =	vst v63  }
0x5c: {  	s9 =	rddreg [dreg:$0xe]  }
0x5d: {  	[tilespmem:s11], [sflag:$0x1] =	stream.indirect_vreg.gather [hbm4b:s8+s1], $0x80, v2, vm0, $0xb8;
	[tilespmem:$0x11000] =	vst v63  }
0x5e: {  	s6 =	rddreg [dreg:$0x13]  }
0x5f: {  	[tilespmem:s12], [sflag:$0x1] =	stream.indirect_vreg.gather [hbm4b:s9+s1], $0x80, v2, vm0, $0xb8;
	[tilespmem:$0x11000] =	vst v63  }
0x60: {  	s10 =	rddreg [dreg:$0xf]  }
0x61: {  	[tilespmem:s13], [sflag:$0x1] =	stream.indirect_vreg.gather [hbm4b:s10+s1], $0x80, v2, vm0, $0xb8;
	[tilespmem:$0x11000] =	vst v63  }
0x62: {  	s11 =	rddreg [dreg:$0x10]  }
0x63: {  	[tilespmem:s14], [sflag:$0x1] =	stream.indirect_vreg.gather [hbm4b:s11+s1], $0x80, v2, vm0, $0xb8;
	[tilespmem:$0x11000] =	vst v63  }
0x64: {  	s12 =	rddreg [dreg:$0x11]  }
0x65: {  	[tilespmem:s15], [sflag:$0x1] =	stream.indirect_vreg.gather [hbm4b:s12+s1], $0x80, v2, vm0, $0xb8;
	[tilespmem:$0x11000] =	vst v63  }
0x66: {  	s13 =	rddreg [dreg:$0x12]  }
0x67: {  	[tilespmem:s16], [sflag:$0x1] =	stream.indirect_vreg.gather [hbm4b:s13+s1], $0x80, v2, vm0, $0xb8;
	[tilespmem:$0x11000] =	vst v63  }
0x68: {  	s7 =	rddreg [dreg:$0x14]  }
0x69: {  	[tilespmem:s17], [sflag:$0x1] =	stream.indirect_vreg.gather [hbm4b:s6+s1], $0x80, v2, vm0, $0xb8;
	[tilespmem:$0x11000] =	vst v63  }
0x6a: {  	s8 =	rddreg [dreg:$0x15]  }
0x6b: {  	[tilespmem:s18], [sflag:$0x1] =	stream.indirect_vreg.gather [hbm4b:s7+s1], $0x80, v2, vm0, $0xb8;
	[tilespmem:$0x11000] =	vst v63  }
0x6c: {  	s9 =	rddreg [dreg:$0x16]  }
0x6d: {  	[tilespmem:s19], [sflag:$0x1] =	stream.indirect_vreg.gather [hbm4b:s8+s1], $0x80, v2, vm0, $0xb8;
	[tilespmem:$0x11000] =	vst v63  }
0x6e: {  	s10 =	rddreg [dreg:$0x17]  }
0x6f: {  	[tilespmem:s20], [sflag:$0x1] =	stream.indirect_vreg.gather [hbm4b:s9+s1], $0x80, v2, vm0, $0xb8;
	[tilespmem:$0x11000] =	vst v63  }
0x70: {  	s11 =	rddreg [dreg:$0x18]  }
0x71: {  	[tilespmem:s21], [sflag:$0x1] =	stream.indirect_vreg.gather [hbm4b:s10+s1], $0x80, v2, vm0, $0xb8;
	[tilespmem:$0x11000] =	vst v63  }
0x72: {  	s12 =	rddreg [dreg:$0x19]  }
0x73: {  	[tilespmem:s22], [sflag:$0x1] =	stream.indirect_vreg.gather [hbm4b:s11+s1], $0x80, v2, vm0, $0xb8;
	[tilespmem:$0x11000] =	vst v63  }
0x74: {  	s13 =	rddreg [dreg:$0x1a]  }
0x75: {  	[tilespmem:s23], [sflag:$0x1] =	stream.indirect_vreg.gather [hbm4b:s12+s1], $0x80, v2, vm0, $0xb8;
	[tilespmem:$0x11000] =	vst v63  }
0x76: {  	s6 =	rddreg [dreg:$0x1b]  }
0x77: {  	[tilespmem:s24], [sflag:$0x1] =	stream.indirect_vreg.gather [hbm4b:s13+s1], $0x80, v2, vm0, $0xb8;
	[tilespmem:$0x11000] =	vst v63  }
0x78: {  	s7 =	rddreg [dreg:$0x1c]  }
0x79: {  	[tilespmem:s25], [sflag:$0x1] =	stream.indirect_vreg.gather [hbm4b:s6+s1], $0x80, v2, vm0, $0xb8;
	[tilespmem:$0x11000] =	vst v63  }
0x7a: {  	s8 =	rddreg [dreg:$0x1d]  }
0x7b: {  	[tilespmem:s26], [sflag:$0x1] =	stream.indirect_vreg.gather [hbm4b:s7+s1], $0x80, v2, vm0, $0xb8;
	[tilespmem:$0x11000] =	vst v63  }
0x7c: {  	s9 =	rddreg [dreg:$0x1e]  }
0x7d: {  	[tilespmem:s28], [sflag:$0x1] =	stream.indirect_vreg.gather [hbm4b:s8+s1], $0x80, v2, vm0, $0xb8;
	[tilespmem:$0x11000] =	vst v63  }
0x7e: {  	s10 =	rddreg [dreg:$0x1f]  }
0x7f: {  	[tilespmem:s29], [sflag:$0x1] =	stream.indirect_vreg.gather [hbm4b:s9+s1], $0x80, v2, vm0, $0xb8;
	[tilespmem:$0x11000] =	vst v63  }
0x80: {  	s11 =	sld [smem:$0x7F2]  }
0x81: {  	[tilespmem:s30], [sflag:$0x1] =	stream.indirect_vreg.gather [hbm4b:s10+s1], $0x80, v2, vm0, $0xb8;
	[tilespmem:$0x11000] =	vst v63  }
0x82: {  	s12 =	sld [smem:$0x7F3]  }
0x83: {  	[tilespmem:s31], [sflag:$0x1] =	stream.indirect_vreg.gather [hbm4b:s11+s1], $0x80, v2, vm0, $0xb8;
	[tilespmem:$0x11000] =	vst v63  }
0x84: {  	s13 =	sld [smem:$0x7F4]  }
0x85: {  	[tilespmem:s0], [sflag:$0x1] =	stream.indirect_vreg.gather [hbm4b:s12+s1], $0x80, v2, vm0, $0xb8;
	[tilespmem:$0x11000] =	vst v63  }
0x86: {  	_ = 	snop  }
0x87: {  	[tilespmem:s2], [sflag:$0x1] =	stream.indirect_vreg.gather [hbm4b:s13+s1], $0x80, v2, vm0, $0xb8;
	[tilespmem:$0x11000] =	vst v63  }
0x88: {  	_ =	swait.ge [sflag:s3], $0x10000  }
0x89: {  	s5 =	simm.s32 $0x200;
	[sflag:s3] =	ssyncset.done $0x0  }
.LBB2_2:
0x8a: {  	s4 =	smov.u32 s5  }
0x8b: {  	[sflag:s3] =	ssyncadd.s32 $0xFFFF0000;
	s4 =	sshra.s32 s4, $0x2  }
0x8c: {  	v2 =	vld.msk [tilespmem:s4+$0x0], $0xf;
	_ =	sdelay $0x4  }
0x8d: {  	v3 =	vshll.u32 v2, $0x7  }
0x8e: {  	v2 =	vand.u32 $0x7, v2;
	v3 =	vand.u32 $0xFFFFFC00, v3  }
0x8f: {  	s6 =	sld [smem:$0x7FC];
	v2 =	vor.u32 v2, v3  }
0x90: {  	s7 =	sld [smem:$0x7FB];
	v2 =	vperm.xlane v2, v0  }
0x91: {  	s8 =	sld [smem:$0x7FA]  }
0x92: {  	s9 =	sld [smem:$0x7F8];
	v2 =	vadd.s32 v1, v2  }
0x93: {  	s10 =	rddreg [dreg:$0x3]  }
0x94: {  	s11 =	sld [smem:$0x7F6]  }
0x95: {  	s12 =	rddreg [dreg:$0x4]  }
0x96: {  	s13 =	simm.s32 $0x1000;
	s4 =	sld [smem:$0x7FD]  }
0x97: {  	[tilespmem:s13], [sflag:$0x1] =	stream.indirect_vreg.gather [hbm4b:s10+s1], $0x80, v2, vm0, $0xb8;
	[tilespmem:$0x11000] =	vst v63  }
0x98: {  	s10 =	rddreg [dreg:$0x5]  }
0x99: {  	[tilespmem:s11], [sflag:$0x1] =	stream.indirect_vreg.gather [hbm4b:s12+s1], $0x80, v2, vm0, $0xb8;
	[tilespmem:$0x11000] =	vst v63  }
0x9a: {  	s11 =	rddreg [dreg:$0x6]  }
0x9b: {  	[tilespmem:s9], [sflag:$0x1] =	stream.indirect_vreg.gather [hbm4b:s10+s1], $0x80, v2, vm0, $0xb8;
	[tilespmem:$0x11000] =	vst v63  }
0x9c: {  	s9 =	rddreg [dreg:$0x7]  }
0x9d: {  	[tilespmem:s8], [sflag:$0x1] =	stream.indirect_vreg.gather [hbm4b:s11+s1], $0x80, v2, vm0, $0xb8;
	[tilespmem:$0x11000] =	vst v63  }
0x9e: {  	s8 =	rddreg [dreg:$0x8]  }
0x9f: {  	[tilespmem:s7], [sflag:$0x1] =	stream.indirect_vreg.gather [hbm4b:s9+s1], $0x80, v2, vm0, $0xb8;
	[tilespmem:$0x11000] =	vst v63  }
0xa0: {  	s7 =	rddreg [dreg:$0x9]  }
0xa1: {  	[tilespmem:s6], [sflag:$0x1] =	stream.indirect_vreg.gather [hbm4b:s8+s1], $0x80, v2, vm0, $0xb8;
	[tilespmem:$0x11000] =	vst v63  }
0xa2: {  	s6 =	rddreg [dreg:$0xa]  }
0xa3: {  	[tilespmem:s4], [sflag:$0x1] =	stream.indirect_vreg.gather [hbm4b:s7+s1], $0x80, v2, vm0, $0xb8;
	[tilespmem:$0x11000] =	vst v63  }
0xa4: {  	s8 =	simm.s32 $0x4800;
	s4 =	rddreg [dreg:$0xb]  }
0xa5: {  	[tilespmem:s8], [sflag:$0x1] =	stream.indirect_vreg.gather [hbm4b:s6+s1], $0x80, v2, vm0, $0xb8;
	[tilespmem:$0x11000] =	vst v63  }
0xa6: {  	s9 =	simm.s32 $0x5000;
	s7 =	rddreg [dreg:$0xc]  }
0xa7: {  	[tilespmem:s9], [sflag:$0x1] =	stream.indirect_vreg.gather [hbm4b:s4+s1], $0x80, v2, vm0, $0xb8;
	[tilespmem:$0x11000] =	vst v63  }
0xa8: {  	s10 =	simm.s32 $0x5800;
	s4 =	rddreg [dreg:$0xd]  }
0xa9: {  	[tilespmem:s10], [sflag:$0x1] =	stream.indirect_vreg.gather [hbm4b:s7+s1], $0x80, v2, vm0, $0xb8;
	[tilespmem:$0x11000] =	vst v63  }
0xaa: {  	s11 =	simm.s32 $0x6000;
	s7 =	rddreg [dreg:$0xe]  }
0xab: {  	[tilespmem:s11], [sflag:$0x1] =	stream.indirect_vreg.gather [hbm4b:s4+s1], $0x80, v2, vm0, $0xb8;
	[tilespmem:$0x11000] =	vst v63  }
0xac: {  	s12 =	simm.s32 $0x6800;
	s4 =	rddreg [dreg:$0xf]  }
0xad: {  	[tilespmem:s12], [sflag:$0x1] =	stream.indirect_vreg.gather [hbm4b:s7+s1], $0x80, v2, vm0, $0xb8;
	[tilespmem:$0x11000] =	vst v63  }
0xae: {  	s13 =	simm.s32 $0x7000;
	s7 =	rddreg [dreg:$0x10]  }
0xaf: {  	[tilespmem:s13], [sflag:$0x1] =	stream.indirect_vreg.gather [hbm4b:s4+s1], $0x80, v2, vm0, $0xb8;
	[tilespmem:$0x11000] =	vst v63  }
0xb0: {  	s4 =	rddreg [dreg:$0x11]  }
0xb1: {  	[tilespmem:s14], [sflag:$0x1] =	stream.indirect_vreg.gather [hbm4b:s7+s1], $0x80, v2, vm0, $0xb8;
	[tilespmem:$0x11000] =	vst v63  }
0xb2: {  	s7 =	rddreg [dreg:$0x12]  }
0xb3: {  	[tilespmem:s15], [sflag:$0x1] =	stream.indirect_vreg.gather [hbm4b:s4+s1], $0x80, v2, vm0, $0xb8;
	[tilespmem:$0x11000] =	vst v63  }
0xb4: {  	s4 =	rddreg [dreg:$0x13]  }
0xb5: {  	[tilespmem:s16], [sflag:$0x1] =	stream.indirect_vreg.gather [hbm4b:s7+s1], $0x80, v2, vm0, $0xb8;
	[tilespmem:$0x11000] =	vst v63  }
0xb6: {  	s7 =	rddreg [dreg:$0x14]  }
0xb7: {  	[tilespmem:s17], [sflag:$0x1] =	stream.indirect_vreg.gather [hbm4b:s4+s1], $0x80, v2, vm0, $0xb8;
	[tilespmem:$0x11000] =	vst v63  }
0xb8: {  	s4 =	rddreg [dreg:$0x15]  }
0xb9: {  	[tilespmem:s18], [sflag:$0x1] =	stream.indirect_vreg.gather [hbm4b:s7+s1], $0x80, v2, vm0, $0xb8;
	[tilespmem:$0x11000] =	vst v63  }
0xba: {  	s7 =	rddreg [dreg:$0x16]  }
0xbb: {  	[tilespmem:s19], [sflag:$0x1] =	stream.indirect_vreg.gather [hbm4b:s4+s1], $0x80, v2, vm0, $0xb8;
	[tilespmem:$0x11000] =	vst v63  }
0xbc: {  	s4 =	rddreg [dreg:$0x17]  }
0xbd: {  	[tilespmem:s20], [sflag:$0x1] =	stream.indirect_vreg.gather [hbm4b:s7+s1], $0x80, v2, vm0, $0xb8;
	[tilespmem:$0x11000] =	vst v63  }
0xbe: {  	s7 =	rddreg [dreg:$0x18]  }
0xbf: {  	[tilespmem:s21], [sflag:$0x1] =	stream.indirect_vreg.gather [hbm4b:s4+s1], $0x80, v2, vm0, $0xb8;
	[tilespmem:$0x11000] =	vst v63  }
0xc0: {  	s4 =	rddreg [dreg:$0x19]  }
0xc1: {  	[tilespmem:s22], [sflag:$0x1] =	stream.indirect_vreg.gather [hbm4b:s7+s1], $0x80, v2, vm0, $0xb8;
	[tilespmem:$0x11000] =	vst v63  }
0xc2: {  	s7 =	rddreg [dreg:$0x1a]  }
0xc3: {  	[tilespmem:s23], [sflag:$0x1] =	stream.indirect_vreg.gather [hbm4b:s4+s1], $0x80, v2, vm0, $0xb8;
	[tilespmem:$0x11000] =	vst v63  }
0xc4: {  	s4 =	rddreg [dreg:$0x1b]  }
0xc5: {  	[tilespmem:s24], [sflag:$0x1] =	stream.indirect_vreg.gather [hbm4b:s7+s1], $0x80, v2, vm0, $0xb8;
	[tilespmem:$0x11000] =	vst v63  }
0xc6: {  	s7 =	rddreg [dreg:$0x1c]  }
0xc7: {  	[tilespmem:s25], [sflag:$0x1] =	stream.indirect_vreg.gather [hbm4b:s4+s1], $0x80, v2, vm0, $0xb8;
	[tilespmem:$0x11000] =	vst v63  }
0xc8: {  	s4 =	rddreg [dreg:$0x1d]  }
0xc9: {  	[tilespmem:s26], [sflag:$0x1] =	stream.indirect_vreg.gather [hbm4b:s7+s1], $0x80, v2, vm0, $0xb8;
	[tilespmem:$0x11000] =	vst v63  }
0xca: {  	s7 =	rddreg [dreg:$0x1e]  }
0xcb: {  	[tilespmem:s28], [sflag:$0x1] =	stream.indirect_vreg.gather [hbm4b:s4+s1], $0x80, v2, vm0, $0xb8;
	[tilespmem:$0x11000] =	vst v63  }
0xcc: {  	s4 =	rddreg [dreg:$0x1f]  }
0xcd: {  	[tilespmem:s29], [sflag:$0x1] =	stream.indirect_vreg.gather [hbm4b:s7+s1], $0x80, v2, vm0, $0xb8;
	[tilespmem:$0x11000] =	vst v63  }
0xce: {  	s7 =	sld [smem:$0x7F2]  }
0xcf: {  	[tilespmem:s30], [sflag:$0x1] =	stream.indirect_vreg.gather [hbm4b:s4+s1], $0x80, v2, vm0, $0xb8;
	[tilespmem:$0x11000] =	vst v63  }
0xd0: {  	s4 =	sld [smem:$0x7F3]  }
0xd1: {  	[tilespmem:s31], [sflag:$0x1] =	stream.indirect_vreg.gather [hbm4b:s7+s1], $0x80, v2, vm0, $0xb8;
	[tilespmem:$0x11000] =	vst v63  }
0xd2: {  	p0 =	sne.s32 s5, $0x3E00;
	s7 =	sld [smem:$0x7F4]  }
0xd3: {  	[tilespmem:s0], [sflag:$0x1] =	stream.indirect_vreg.gather [hbm4b:s4+s1], $0x80, v2, vm0, $0xb8;
	[tilespmem:$0x11000] =	vst v63  }
.Ltmp0:
0xd4: {  	_ = 	snop;
	(pc) =	sbr.rel @p0 .LBB2_2-.Ltmp0, $4  }
0xd5: {  	_ = 	snop  }
0xd6: {  	[tilespmem:s2], [sflag:$0x1] =	stream.indirect_vreg.gather [hbm4b:s7+s1], $0x80, v2, vm0, $0xb8;
	[tilespmem:$0x11000] =	vst v63  }
0xd7: {  	_ =	swait.ge [sflag:s3], $0x10000  }
0xd8: {  	s5 =	sadd.s32 $0x200, s5;
	[sflag:s3] =	ssyncset.done $0x0  }
0xd9: {  	s4 =	sld [smem:$0x7F7]  }
0xda: {  	[sflag:s3] =	ssyncadd.s32 $0xFFFF0000  }
0xdb: {  	s5 =	simm.s32 $0x1000;
	s6 =	simm.s32 $0x200;
	s7 =	simm.s32 $0x400  }
0xdc: {  	[hbm4b:s4+s6] =	stream.strided.scatter [tilespmem:s5], [sflag:$0x1], $0x10000, s7, s6, $0x38;
	[tilespmem:$0x11000] =	vst v63  }
0xdd: {  	_ =	swait.ge [sflag:s3], $0x10000  }
0xde: {  	s6 =	sld [smem:$0x7F0]  }
0xdf: {  	s7 =	sld [smem:$0x7F9];
	_ =	sdelay $0x1  }
0xe0: {  	s5 =	sadd.s32 $0x1, s6  }
0xe1: {  	p0 =	sne.s32 s5, s7  }
.Ltmp1:
0xe2: {  	_ = 	snop;
	(pc) =	sbr.rel @p0 .LBB2_1-.Ltmp1, $3  }
0xe3: {  	_ =	sdelay $0x1  }
0xe4: {  	[sflag:s3] =	ssyncset.done $0x0  }
0xe5: {  	[sflag:s3] =	ssyncadd.s32 $0xFFFF0000  }
0xe6: {  	_ =	sfence.sel $0x180000  }
0xe7: {  	[bflag:$0x0] =	sbarrier.arrive $0xFFFF  }
0xe8: {  	_ =	strace $0x9000004A  }
0xe9: {  	s0 =	stileid.u32;
	[bflag:$0x2] =	sbarrier.arrive $0xFFFF  }
0xea: {  	p0 =	sne.s32 s0, $0x0;
	s0 =	rddreg [dreg:$0x2]  }
0xeb: {  	s0 =	sadd.s32 @!p0 $0x100000, s0  }
0xec: {  	[sflag:s0] =	ssyncadd.tile.s32 @!p0 $0x1;
	_ =	shalt  }
.Lfunc_end2:
_tile_overlayer_lowered:
.L_overlay_start_2:
0xed: {  	(tag) =	ssettag $0x2  }
0xee: {  	s0 =	rddreg [dreg:$0x0];
	s2 =	stileid.u32  }
0xef: {  	s1 =	rddreg [dreg:$0x1];
	p0 =	sne.s32 s2, $0x0  }
0xf0: {  	s3 =	rddreg [dreg:$0x2];
	[bflag:$0x3] =	sbarrier.arrive $0xFFFF;
	s2 =	simm.s32 @!p0 $0x1C02  }
0xf1: {  	[timem:s3], [sflag:s2] =	dma.local @!p0 [hbm:s0], s1  }
0xf2: {  	s0 =	simm.s32 @!p0 $0x2  }
0xf3: {  	_ =	swait.ge @!p0 [sflag:s0], s1  }
0xf4: {  	s1 =	ssub.s32 @!p0 $0x0, s1;
	[sflag:s0] =	ssyncset.done @!p0 $0x0  }
0xf5: {  	[sflag:s0] =	ssyncadd.s32 @!p0 s1  }
0xf6: {  	[bflag:$0x3] =	sbarrier.arrive $0xFFFF  }
0xf7: {  	_ =	shalt  }

// kernel: sparse-core-data-format-call.1.cloned.1.call-start
scs
called_computation.1_lowered:
.L_overlay_start_0:
0x0: {  	s2 =	sld [smem:$0x3FD9]  }
0x1: {  	s3 =	sld [smem:$0x3FFE];
	_ =	sdelay $0x1  }
0x2: {  	s1 =	srdreg.scid  }
0x3: {  	s0 =	sand.u32 $0x1, s1  }
0x4: {  	s18 =	sshll.u32 s0, $0xA;
	s2 =	sadd.s32 s3, s2  }
0x5: {  	s2 =	sadd.s32 s2, s18  }
0x6: {  	[smem:$0x3FC6] =	sst s2  }
0x7: {  	_ = 	snop  }
0x8: {  	s2 =	sld [smem:$0x3FC8];
	(tm) =	ssettm $0x1  }
0x9: {  	s19 =	sld [smem:$0x3FFB];
	_ =	sdelay $0x3  }
0xa: {  	_ =	strace s19  }
0xb: {  	s3 =	sld [smem:$0x3FFC];
	_ =	sdelay $0x3  }
0xc: {  	_ =	strace s3  }
0xd: {  	s3 =	sld [smem:$0x3FFD];
	_ =	sdelay $0x3  }
0xe: {  	_ =	strace s3  }
0xf: {  	_ =	strace $0x8FFFFFFF  }
0x10: {  	s20 =	sld [smem:$0x3FDB];
	_ =	sdelay $0x1  }
0x11: {  	s4 =	simm.s32 $_scs_section_size  }
0x12: {  	s5 =	simm.s32 $_size__tile_overlayer_lowered;
	s6 =	simm.s32 $_tile_overlayer_lowered  }
0x13: {  	s23 =	simm.s32 $0x1BFF;
	s22 =	sshll.u32 s6, $0x1;
	s3 =	sadd.s32 s4, s20  }
0x14: {  	s7 =	simm.s32 $0x0;
	s21 =	sshll.u32 s5, $0x1;
	s5 =	sadd.s32 s22, s3  }
0x15: {  	[timem:s7], [sflag:s23] =	dma.local [hbm:s5], s21  }
0x16: {  	_ =	swait.ge [sflag:s23], s21  }
0x17: {  	s4 =	ssub.s32 $0x0, s21;
	[sflag:s23] =	ssyncset.done $0x0  }
0x18: {  	[sflag:s23] =	ssyncadd.s32 s4;
	_ =	sdelay $0x1  }
0x19: {  	s24 =	simm.s32 $0x1B8B  }
0x1a: {  	_ =	swait.ge [sflag:s24], $0x1  }
0x1b: {  	[sflag:s24] =	ssyncset.done $0x0  }
0x1c: {  	s26 =	simm.s32 $0x1B8E;
	s25 =	sld [smem:$0x3FFE];
	[sflag:s24] =	ssyncadd.s32 $0xFFFFFFFF  }
0x1d: {  	s27 =	simm.s32 $execute0_lowered;
	[smem:$0x3FD2] =	sst s26  }
0x1e: {  	s5 =	sshll.u32 s27, $0x1;
	_ =	strace $0x80000046;
	[dreg:$0x1] =	wrdreg $0xFFFFFFFF  }
0x1f: {  	s28 =	simm.s32 $_size_execute0_lowered;
	s3 =	sadd.s32 s3, s5;
	[dreg:$0x0] =	wrdreg $0x0  }
0x20: {  	s5 =	sshll.u32 s28, $0x1;
	[dreg:$0x2] =	wrdreg s3  }
0x21: {  	[dreg:$0x3] =	wrdreg s5  }
0x22: {  	[dreg:$0x4] =	wrdreg $0xC0  }
0x23: {  	_ =	task [dreg:s7], $0x5FFFF  }
0x24: {  	[dreg:$0x1] =	wrdreg $0xFFFFFFFF  }
0x25: {  	[dreg:$0x0] =	wrdreg $0x60  }
0x26: {  	[dreg:$0x2] =	wrdreg s2  }
0x27: {  	[dreg:$0x3] =	wrdreg s25  }
0x28: {  	[dreg:$0x4] =	wrdreg $0x9  }
0x29: {  	_ =	task.clear_ibuf [dreg:s7], $0x5FFFF;
	_ =	strace $0x90000046  }
0x2a: {  	s29 =	simm.s32 $0x9;
	_ =	strace $0x80000048  }
0x2b: {  	_ =	swait.ge [sflag:s29], $0x1  }
0x2c: {  	[sflag:s29] =	ssyncadd.s32 $0xFFFFFFFF  }
0x2d: {  	_ =	strace $0x90000048  }
0x2e: {  	_ =	sfence  }
0x2f: {  	s30 =	sld [smem:$0x0];
	_ =	sdelay $0x2  }
0x30: {  	s31 =	sshll.u32 s1, $0xD;
	s1 =	sshrl.u32 s1, $0x2  }
0x31: {  	s3 =	sand.u32 $0x4000, s31;
	s1 =	sadd.s32 s1, s30  }
0x32: {  	s0 =	sor.u32 s3, s0;
	s1 =	sshll.u32 s1, $0x11  }
0x33: {  	s0 =	sor.u32 s1, s0  }
0x34: {  	s0 =	sadd.s32 $0x8F2B, s0  }
0x35: {  	[sflag:s0] =	ssyncadd.remote.s32 $0x1  }
0x36: {  	_ =	sfence.sel $0xFFFF  }
0x37: {  	[dreg:$0x0] =	wrdreg $0xFFFFFFFF;
	(pc) =	sbr.abs _section_cstart, $3  }
0x38: {  	[dreg:$0x1] =	wrdreg $0xFFFFFFFF  }
0x39: {  	_ =	task.clear_ibuf [dreg:s7], $0x2FFFF;
	_ =	strace $0x9FFFFFFF  }
0x3a: {  	(tm) =	ssettm $0x7FFFFFFF  }
0x3b: {  	_ =	shalt  }
tec
execute0_lowered:
.L_overlay_start_1:
0x0: {  	(tag) =	ssettag $0x1  }
0x1: {  	s2 =	rddreg [dreg:$0x0]  }
0x2: {  	s1 =	rddreg [dreg:$0x1]  }
0x3: {  	s0 =	rddreg [dreg:$0x2]  }
0x4: {  	_ =	strace $0x80000047;
	s4 =	srdreg.scid;
	s6 =	simm.s32 $0x2  }
0x5: {  	s12 =	simm.s32 $0x0;
	p0 =	por $0x0, $0x0;
	s13 =	simm.s32 $0x0  }
0x6: {  	s15 =	simm.s32 $0x0;
	s14 =	simm.s32 $0x0;
	s8 =	simm.s32 $0x0  }
.Ltmp0:
0x7: {  	s9 =	simm.s32 $0x0;
	s10 =	simm.s32 $0x0;
	(pc) =	sbr.rel .LBB1_1-.Ltmp0, $4  }
0x8: {  	s7 =	simm.s32 $0x0;
	s3 =	sadd.s32 $0xC00, s1;
	s5 =	sshll.u32 s4, $0x4  }
0x9: {  	s1 =	stileid.u32;
	s4 =	simm.s32 $0x1;
	s5 =	sand.u32 $0x10, s5  }
0xa: {  	s21 =	simm.s32 $0x0;
	[sflag:s4] =	ssyncpa.u1 $0x0;
	s5 =	sor.u32 s1, s5  }
0xb: {  	[sflag:s6] =	ssyncpa.u1 $0x0;
	s6 =	simm.s32 $0x2000;
	s11 =	smov.u32 s5  }
.LBB1_7:
0xc: {  	s16 =	sadd.s32 $0x100, s8  }
0xd: {  	s12 =	sadd.s32 $0x8, s9;
	s17 =	smov.u32 s9;
	p2 =	sgt.s32 s16, $0x3FF  }
0xe: {  	s17 =	smov.u32 @p2 s12  }
0xf: {  	s18 =	smov.u32 s10;
	s12 =	sadd.s32 $0x8, s10;
	p3 =	sgt.s32 s17, $0xF  }
0x10: {  	s18 =	smov.u32 @p3 s12  }
0x11: {  	s19 =	smov.u32 s11;
	s12 =	sadd.s32 $0x20, s11;
	p4 =	sgt.s32 s18, $0x7  }
0x12: {  	p1 =	slt.u32 s7, $0x2;
	s19 =	smov.u32 @p4 s12  }
0x13: {  	s7 =	sadd.s32 $0x1, s7;
	s16 =	simm.s32 @p2 $0x0;
	p2 =	sgt.s32 s19, $0x3FF  }
0x14: {  	s20 =	simm.s32 @!p1 $0x2;
	s19 =	smov.u32 @p2 s5;
	p2 =	sne.s32 s7, $0x102  }
.Ltmp1:
0x15: {  	s13 =	smov.u32 s9;
	_ =	swait.ge @!p1 [sflag:s20], $0x4000;
	(pc) =	sbr.rel @!p2 .LBB1_8-.Ltmp1, $4  }
0x16: {  	s15 =	smov.u32 s10;
	s14 =	smov.u32 s11;
	[sflag:s20] =	ssyncset.done @!p1 $0x0  }
0x17: {  	p0 =	por !p0, !p0;
	s17 =	simm.s32 @p3 $0x0;
	[sflag:s20] =	ssyncadd.s32 @!p1 $0xFFFFC000  }
0x18: {  	s9 =	smov.u32 s17;
	s18 =	simm.s32 @p4 $0x0;
	s12 =	smov.u32 s8  }
0x19: {  	s8 =	smov.u32 s16;
	s10 =	smov.u32 s18;
	s11 =	smov.u32 s19  }
.LBB1_1:
0x1a: {  	p1 =	sgt.u32 s7, $0xFF  }
0x1b: {  	s16 =	sxor.u32 @!p1 $0xFFFFFFFF, s7;
	s17 =	sshll.u32 @!p1 s9, $0x7;
	s18 =	sand.u32 @!p1 $0x78, s8  }
0x1c: {  	s20 =	sshll.u32 @!p1 s10, $0xB;
	s16 =	sshll.u32 @!p1 s16, $0xE;
	s19 =	sand.u32 @!p1 $0x380, s17  }
0x1d: {  	s17 =	sand.u32 @!p1 $0x400, s17;
	s18 =	sor.u32 @!p1 s18, s19;
	s19 =	sshll.u32 @!p1 s11, $0xE  }
0x1e: {  	s16 =	sand.u32 @!p1 $0x4000, s16;
	s17 =	sadd.s32 @!p1 s8, s17;
	s19 =	sadd.s32 @!p1 s2, s19  }
0x1f: {  	s18 =	sshrl.u32 @!p1 s18, $0x3;
	s19 =	sadd.s32 @!p1 s20, s19;
	s20 =	sand.u32 @!p1 $0x7, s8  }
0x20: {  	s17 =	sand.u32 @!p1 $0x780, s17;
	s18 =	sadd.s32 @!p1 s18, s19;
	s19 =	sshll.u32 @!p1 s20, $0x12  }
0x21: {  	s17 =	sadd.s32 @!p1 s17, s18;
	s18 =	sor.u32 @!p1 $0x800, s19;
	s19 =	simm.s32 @!p1 $0x4000  }
0x22: {  	[tilespmem:s16], [sflag:$0x1] =	stream.strided.gather @!p1 [hbm4b:s17+s18], $0x4000, s19, s18, $0x38;
	[tilespmem:$0x10000] =	vst v63  }
0x23: {  	p1 =	seq.s32 s7, $0x0  }
0x24: {  	p2 =	seq.s32 @!p1 s7, $0x101  }
0x25: {  	p1 =	por p1, p2  }
.Ltmp2:
0x26: {  	_ = 	snop;
	(pc) =	sbr.rel @p1 .LBB1_7-.Ltmp2, $1  }
0x27: {  	_ =	sdelay $0x3  }
0x28: {  	s16 =	simm.s32 $0x1  }
0x29: {  	_ =	swait.ge [sflag:s4], $0x4000;
	s31 =	sshll.u32 s7, $0xE;
	p1 =	por $0x0, $0x0  }
0x2a: {  	s22 =	simm.s32 $0x0;
	s23 =	simm.s32 $0x0;
	s16 =	simm.s32 @!p0 $0x0  }
0x2b: {  	[sflag:s4] =	ssyncset.done $0x0;
	s19 =	sand.u32 $0x4000, s31;
	s16 =	sshll.u32 s16, $0x10  }
0x2c: {  	[sflag:s4] =	ssyncadd.s32 $0xFFFFC000;
	s20 =	sshrl.u32 s16, $0x2;
	s16 =	sor.u32 $0x8000, s19  }
0x2d: {  	s17 =	sor.u32 $0x40, s20;
	s18 =	sor.u32 $0x8410, s20;
	s20 =	sadd.s32 $0x8400, s20  }
.LBB1_3:
0x2e: {  	v1 =	vld [tilespmem:s17+$0xFFFFFFD0]  }
0x2f: {  	v2 =	vld [tilespmem:s17+$0x430]  }
0x30: {  	s24 =	sshll.u32 s23, $0xB;
	v4 =	vld [tilespmem:s17+$0xFFFFFFE0]  }
0x31: {  	v7 =	vld [tilespmem:s17+$0xFFFFFFF0];
	v0 =	vmov s24  }
0x32: {  	v8 =	vld [tilespmem:s17+$0x0]  }
0x33: {  	s30 =	sand.u32 $0x300, s21;
	v9 =	vld [tilespmem:s17+$0x10]  }
0x34: {  	s25 =	sand.u32 $0x80, s21;
	v10 =	vld [tilespmem:s17+$0x20];
	s24 =	sadd.s32 s30, s19  }
0x35: {  	v11 =	vld [tilespmem:s17+$0x30];
	s24 =	sadd.s32 s25, s24;
	s25 =	simm.s32 $0x1;
	[tilespmem:s18+$0x60] =	vst v2  }
0x36: {  	s31 =	sshll.u32 s22, $0x2;
	s25 =	simm.s32 @!p1 $0x0;
	[tilespmem:s18+$0xFFFFFC00] =	vst v1;
	v3 =	vld.idx.msk [tilespmem:v0+s24+$0x400 ss:$0x1], $0xffff  }
0x37: {  	v6 =	vld [tilespmem:s17+$0x3D0];
	s25 =	sshll.u32 s25, $0x9;
	[tilespmem:s18+$0xFFFFFC10] =	vst v4;
	s24 =	sand.u32 $0xFFFFFC00, s31  }
0x38: {  	v5 =	vld [tilespmem:s17+$0x3E0];
	[tilespmem:s18+$0xFFFFFC20] =	vst v7;
	s24 =	sor.u32 s25, s24  }
0x39: {  	[tilespmem:s18+$0xFFFFFC30] =	vst v8;
	v4 =	vld [tilespmem:s17+$0x400];
	s24 =	sshrl.u32 s24, $0x2  }
0x3a: {  	[tilespmem:s18+$0xFFFFFC40] =	vst v9;
	v1 =	vld [tilespmem:s17+$0x410];
	s24 =	sadd.s32 s24, s20  }
0x3b: {  	[tilespmem:s24+$0x0] =	vst v3;
	v3 =	vld [tilespmem:s17+$0x3F0]  }
0x3c: {  	s28 =	simm.s32 $0x80;
	s27 =	simm.s32 $0x100;
	[tilespmem:s18+$0xFFFFFC50] =	vst v10;
	v2 =	vld [tilespmem:s17+$0x420]  }
0x3d: {  	s26 =	smov.u32 s18;
	s29 =	sand.u32 $0x300, s28;
	v7 =	vld [tilespmem:s17+$0xFFFFFFC0];
	[tilespmem:s18+$0xFFFFFC60] =	vst v11;
	s25 =	sadd.s32 $0x80, s17  }
.LBB1_4:
0x3e: {  	p2 =	sne.s32 s27, $0x380;
	v8 =	vld [tilespmem:s25+$0xFFFFFFD0];
	s28 =	sand.u32 $0x80, s28;
	s29 =	sadd.s32 s29, s19;
	[tilespmem:s26+$0x0] =	vst v6  }
0x3f: {  	s29 =	sadd.s32 s28, s29;
	v6 =	vld [tilespmem:s25+$0x430];
	[tilespmem:s26+$0x10] =	vst v5;
	s28 =	smov.u32 s27  }
0x40: {  	v5 =	vld.idx.msk [tilespmem:v0+s29+$0x400 ss:$0x1], $0xffff;
	[tilespmem:s26+$0x20] =	vst v3  }
0x41: {  	v3 =	vld [tilespmem:s25+$0xFFFFFFE0];
	[tilespmem:s26+$0x30] =	vst v4  }
0x42: {  	v4 =	vld [tilespmem:s25+$0xFFFFFFF0];
	[tilespmem:s26+$0xFFFFFBF0] =	vst v7  }
0x43: {  	v7 =	vld [tilespmem:s25+$0x0];
	[tilespmem:s26+$0x40] =	vst v1  }
0x44: {  	v1 =	vld [tilespmem:s25+$0x10];
	[tilespmem:s26+$0x50] =	vst v2;
	s26 =	sadd.s32 $0x800, s26  }
0x45: {  	s24 =	sadd.s32 $0x800, s24;
	v2 =	vld [tilespmem:s25+$0x20];
	[tilespmem:s26+$0x60] =	vst v6  }
0x46: {  	v9 =	vld [tilespmem:s25+$0x30];
	[tilespmem:s24+$0x0] =	vst v5  }
0x47: {  	[tilespmem:s26+$0xFFFFFC00] =	vst v8;
	v6 =	vld [tilespmem:s25+$0x3D0]  }
0x48: {  	[tilespmem:s26+$0xFFFFFC10] =	vst v3;
	v5 =	vld [tilespmem:s25+$0x3E0]  }
.Ltmp3:
0x49: {  	[tilespmem:s26+$0xFFFFFC20] =	vst v4;
	v3 =	vld [tilespmem:s25+$0x3F0];
	(pc) =	sbr.rel @p2 .LBB1_4-.Ltmp3, $4  }
0x4a: {  	[tilespmem:s26+$0xFFFFFC30] =	vst v7;
	v4 =	vld [tilespmem:s25+$0x400]  }
0x4b: {  	[tilespmem:s26+$0xFFFFFC40] =	vst v1;
	v1 =	vld [tilespmem:s25+$0x410]  }
0x4c: {  	[tilespmem:s26+$0xFFFFFC50] =	vst v2;
	v2 =	vld [tilespmem:s25+$0x420]  }
0x4d: {  	s27 =	sadd.s32 $0x80, s27;
	s29 =	sand.u32 $0x300, s28;
	v7 =	vld [tilespmem:s25+$0xFFFFFFC0];
	[tilespmem:s26+$0xFFFFFC60] =	vst v9;
	s25 =	sadd.s32 $0x80, s25  }
0x4e: {  	[tilespmem:s26+$0x0] =	vst v6  }
0x4f: {  	[tilespmem:s26+$0x10] =	vst v5  }
0x50: {  	v49 =	vld [tilespmem:s25+$0x430];
	[tilespmem:s26+$0x20] =	vst v3  }
0x51: {  	v50 =	vld [tilespmem:s25+$0xFFFFFFD0];
	[tilespmem:s26+$0x30] =	vst v4  }
0x52: {  	v51 =	vld [tilespmem:s25+$0xFFFFFFE0];
	[tilespmem:s26+$0x40] =	vst v1  }
0x53: {  	v52 =	vld [tilespmem:s25+$0xFFFFFFF0];
	[tilespmem:s26+$0x50] =	vst v2  }
0x54: {  	s31 =	sadd.s32 $0x800, s26;
	v53 =	vld [tilespmem:s25+$0x0];
	[tilespmem:s26+$0xFFFFFBF0] =	vst v7  }
0x55: {  	v54 =	vld [tilespmem:s25+$0x10];
	[tilespmem:s31+$0x60] =	vst v49  }
0x56: {  	v55 =	vld [tilespmem:s25+$0x20];
	[tilespmem:s31+$0xFFFFFC00] =	vst v50  }
0x57: {  	v56 =	vld [tilespmem:s25+$0x30];
	[tilespmem:s31+$0xFFFFFC10] =	vst v51  }
0x58: {  	v57 =	vld [tilespmem:s25+$0x3D0];
	[tilespmem:s31+$0xFFFFFC20] =	vst v52  }
0x59: {  	v58 =	vld [tilespmem:s25+$0x3E0];
	[tilespmem:s31+$0xFFFFFC30] =	vst v53  }
0x5a: {  	v59 =	vld [tilespmem:s25+$0x3F0];
	[tilespmem:s31+$0xFFFFFC40] =	vst v54  }
0x5b: {  	v60 =	vld [tilespmem:s25+$0x400];
	[tilespmem:s31+$0xFFFFFC50] =	vst v55  }
0x5c: {  	v61 =	vld [tilespmem:s25+$0xFFFFFFC0];
	[tilespmem:s31+$0xFFFFFC60] =	vst v56  }
0x5d: {  	s27 =	sand.u32 $0x80, s28;
	s30 =	sadd.s32 s29, s19;
	v62 =	vld [tilespmem:s25+$0x410];
	[tilespmem:s31+$0x0] =	vst v57  }
0x5e: {  	v63 =	vld [tilespmem:s25+$0x420];
	s23 =	sadd.s32 $0x1, s23;
	s27 =	sadd.s32 s27, s30;
	[tilespmem:s31+$0x10] =	vst v58  }
0x5f: {  	p2 =	sne.s32 s23, $0x8;
	v0 =	vld.idx.msk [tilespmem:v0+s27+$0x400 ss:$0x1], $0xffff;
	[tilespmem:s31+$0x20] =	vst v59  }
.Ltmp4:
0x60: {  	[tilespmem:s31+$0x30] =	vst v60;
	(pc) =	sbr.rel @p2 .LBB1_3-.Ltmp4, $4  }
0x61: {  	[tilespmem:s31+$0xFFFFFBF0] =	vst v61  }
0x62: {  	[tilespmem:s31+$0x40] =	vst v62  }
0x63: {  	s24 =	sadd.s32 $0x800, s24;
	s17 =	sadd.s32 $0x800, s17;
	[tilespmem:s31+$0x50] =	vst v63  }
0x64: {  	s22 =	sadd.s32 $0x80, s22;
	p1 =	por !p1, !p1;
	s18 =	sadd.s32 $0x80, s18;
	[tilespmem:s24+$0x0] =	vst v0  }
0x65: {  	s15 =	sshll.u32 s15, $0x7;
	s17 =	sand.u32 $0x78, s12  }
0x66: {  	s14 =	sshll.u32 s14, $0xE;
	s13 =	sshll.u32 s13, $0xA;
	s29 =	sand.u32 $0x380, s12  }
.Ltmp5:
0x67: {  	s15 =	sand.u32 $0x380, s15;
	s14 =	sadd.s32 s3, s14;
	(pc) =	sbr.rel .LBB1_7-.Ltmp5, $4  }
0x68: {  	s30 =	sand.u32 $0x7, s12;
	s15 =	sor.u32 s15, s17;
	s13 =	sadd.s32 s13, s14  }
0x69: {  	s12 =	sshll.u32 s30, $0x12;
	s31 =	sshrl.u32 s15, $0x3;
	s13 =	sadd.s32 s29, s13  }
0x6a: {  	s12 =	sor.u32 $0x800, s12;
	s13 =	sadd.s32 s31, s13  }
0x6b: {  	[hbm4b:s13+s12] =	stream.strided.scatter [tilespmem:s16], [sflag:$0x2], $0x4000, s6, s12, $0x38;
	[tilespmem:$0x10000] =	vst v63  }
.LBB1_8:
0x6c: {  	_ =	sfence.sel $0x180000  }
0x6d: {  	s2 =	simm.s32 $0x1;
	[bflag:$0x0] =	sbarrier.arrive $0xFFFF  }
0x6e: {  	s31 =	simm.s32 $0x2;
	[sflag:s2] =	ssyncpa.u1 $0x1  }
0x6f: {  	[sflag:s31] =	ssyncpa.u1 $0x1  }
0x70: {  	p0 =	sne.s32 s1, $0x0;
	_ =	strace $0x90000047  }
0x71: {  	s0 =	sadd.s32 @!p0 $0x100000, s0;
	[bflag:$0x2] =	sbarrier.arrive $0xFFFF  }
0x72: {  	[sflag:s0] =	ssyncadd.tile.s32 @!p0 $0x1;
	_ =	shalt  }
.Lfunc_end1:
_tile_overlayer_lowered:
.L_overlay_start_2:
0x73: {  	(tag) =	ssettag $0x2  }
0x74: {  	s0 =	rddreg [dreg:$0x0];
	s2 =	stileid.u32  }
0x75: {  	s1 =	rddreg [dreg:$0x1];
	p0 =	sne.s32 s2, $0x0  }
0x76: {  	s3 =	rddreg [dreg:$0x2];
	[bflag:$0x3] =	sbarrier.arrive $0xFFFF;
	s2 =	simm.s32 @!p0 $0x1C01  }
0x77: {  	[timem:s3], [sflag:s2] =	dma.local @!p0 [hbm:s0], s1  }
0x78: {  	s0 =	simm.s32 @!p0 $0x1  }
0x79: {  	_ =	swait.ge @!p0 [sflag:s0], s1  }
0x7a: {  	s1 =	ssub.s32 @!p0 $0x0, s1;
	[sflag:s0] =	ssyncset.done @!p0 $0x0  }
0x7b: {  	[sflag:s0] =	ssyncadd.s32 @!p0 s1  }
0x7c: {  	[bflag:$0x3] =	sbarrier.arrive $0xFFFF  }
0x7d: {  	_ =	shalt  }

// kernel: sparse-core-data-format-call.cloned.1.call-start
scs
called_computation_lowered:
.L_overlay_start_0:
0x0: {  	s2 =	sld [smem:$0x3FD9]  }
0x1: {  	s3 =	sld [smem:$0x3FFE];
	_ =	sdelay $0x1  }
0x2: {  	s1 =	srdreg.scid  }
0x3: {  	s0 =	sand.u32 $0x1, s1  }
0x4: {  	s18 =	sshll.u32 s0, $0xA;
	s2 =	sadd.s32 s3, s2  }
0x5: {  	s2 =	sadd.s32 s2, s18  }
0x6: {  	[smem:$0x3FC6] =	sst s2  }
0x7: {  	_ = 	snop  }
0x8: {  	s2 =	sld [smem:$0x3FD0];
	(tm) =	ssettm $0x1  }
0x9: {  	s19 =	sld [smem:$0x3FFB];
	_ =	sdelay $0x3  }
0xa: {  	_ =	strace s19  }
0xb: {  	s3 =	sld [smem:$0x3FFC];
	_ =	sdelay $0x3  }
0xc: {  	_ =	strace s3  }
0xd: {  	s3 =	sld [smem:$0x3FFD];
	_ =	sdelay $0x3  }
0xe: {  	_ =	strace s3  }
0xf: {  	_ =	strace $0x8FFFFFFF  }
0x10: {  	s20 =	sld [smem:$0x3FDB];
	_ =	sdelay $0x1  }
0x11: {  	s4 =	simm.s32 $_scs_section_size  }
0x12: {  	s5 =	simm.s32 $_size__tile_overlayer_lowered;
	s6 =	simm.s32 $_tile_overlayer_lowered  }
0x13: {  	s23 =	simm.s32 $0x1BFF;
	s22 =	sshll.u32 s6, $0x1;
	s3 =	sadd.s32 s4, s20  }
0x14: {  	s7 =	simm.s32 $0x0;
	s21 =	sshll.u32 s5, $0x1;
	s5 =	sadd.s32 s22, s3  }
0x15: {  	[timem:s7], [sflag:s23] =	dma.local [hbm:s5], s21  }
0x16: {  	_ =	swait.ge [sflag:s23], s21  }
0x17: {  	s4 =	ssub.s32 $0x0, s21;
	[sflag:s23] =	ssyncset.done $0x0  }
0x18: {  	[sflag:s23] =	ssyncadd.s32 s4;
	_ =	sdelay $0x1  }
0x19: {  	s24 =	simm.s32 $0x1B8B  }
0x1a: {  	_ =	swait.ge [sflag:s24], $0x1  }
0x1b: {  	[sflag:s24] =	ssyncset.done $0x0  }
0x1c: {  	s26 =	simm.s32 $0x1B8E;
	s25 =	sld [smem:$0x3FFE];
	[sflag:s24] =	ssyncadd.s32 $0xFFFFFFFF  }
0x1d: {  	s27 =	simm.s32 $execute0_lowered;
	[smem:$0x3FD2] =	sst s26  }
0x1e: {  	s5 =	sshll.u32 s27, $0x1;
	_ =	strace $0x8000004C;
	[dreg:$0x1] =	wrdreg $0xFFFFFFFF  }
0x1f: {  	s28 =	simm.s32 $_size_execute0_lowered;
	s3 =	sadd.s32 s3, s5;
	[dreg:$0x0] =	wrdreg $0x0  }
0x20: {  	s5 =	sshll.u32 s28, $0x1;
	[dreg:$0x2] =	wrdreg s3  }
0x21: {  	[dreg:$0x3] =	wrdreg s5  }
0x22: {  	[dreg:$0x4] =	wrdreg $0xC0  }
0x23: {  	_ =	task [dreg:s7], $0x5FFFF  }
0x24: {  	[dreg:$0x1] =	wrdreg $0xFFFFFFFF  }
0x25: {  	[dreg:$0x0] =	wrdreg $0x60  }
0x26: {  	[dreg:$0x2] =	wrdreg s25  }
0x27: {  	[dreg:$0x3] =	wrdreg s2  }
0x28: {  	[dreg:$0x4] =	wrdreg $0x9  }
0x29: {  	_ =	task.clear_ibuf [dreg:s7], $0x5FFFF;
	_ =	strace $0x9000004C  }
0x2a: {  	s29 =	simm.s32 $0x9;
	_ =	strace $0x8000004E  }
0x2b: {  	_ =	swait.ge [sflag:s29], $0x1  }
0x2c: {  	[sflag:s29] =	ssyncadd.s32 $0xFFFFFFFF  }
0x2d: {  	_ =	strace $0x9000004E  }
0x2e: {  	_ =	sfence  }
0x2f: {  	s30 =	sld [smem:$0x0];
	_ =	sdelay $0x2  }
0x30: {  	s31 =	sshll.u32 s1, $0xD;
	s1 =	sshrl.u32 s1, $0x2  }
0x31: {  	s3 =	sand.u32 $0x4000, s31;
	s1 =	sadd.s32 s1, s30  }
0x32: {  	s0 =	sor.u32 s3, s0;
	s1 =	sshll.u32 s1, $0x11  }
0x33: {  	s0 =	sor.u32 s1, s0  }
0x34: {  	s0 =	sadd.s32 $0x8F2B, s0  }
0x35: {  	[sflag:s0] =	ssyncadd.remote.s32 $0x1  }
0x36: {  	_ =	sfence.sel $0xFFFF  }
0x37: {  	[dreg:$0x0] =	wrdreg $0xFFFFFFFF;
	(pc) =	sbr.abs _section_cstart, $3  }
0x38: {  	[dreg:$0x1] =	wrdreg $0xFFFFFFFF  }
0x39: {  	_ =	task.clear_ibuf [dreg:s7], $0x2FFFF;
	_ =	strace $0x9FFFFFFF  }
0x3a: {  	(tm) =	ssettm $0x7FFFFFFF  }
0x3b: {  	_ =	shalt  }
tec
execute0_lowered:
.L_overlay_start_1:
0x0: {  	(tag) =	ssettag $0x1  }
0x1: {  	s1 =	rddreg [dreg:$0x0]  }
0x2: {  	s2 =	rddreg [dreg:$0x1]  }
0x3: {  	s0 =	rddreg [dreg:$0x2]  }
0x4: {  	_ =	strace $0x8000004D;
	s4 =	srdreg.scid;
	s6 =	simm.s32 $0x2  }
0x5: {  	s12 =	simm.s32 $0x0;
	p0 =	por $0x0, $0x0;
	s13 =	simm.s32 $0x0  }
0x6: {  	s15 =	simm.s32 $0x0;
	s14 =	simm.s32 $0x0;
	s8 =	simm.s32 $0x0  }
.Ltmp0:
0x7: {  	s9 =	simm.s32 $0x0;
	s10 =	simm.s32 $0x0;
	(pc) =	sbr.rel .LBB1_1-.Ltmp0, $4  }
0x8: {  	s7 =	simm.s32 $0x0;
	s3 =	sadd.s32 $0x1000C00, s1;
	s5 =	sshll.u32 s4, $0x4  }
0x9: {  	s1 =	stileid.u32;
	s4 =	simm.s32 $0x1;
	s5 =	sand.u32 $0x10, s5  }
0xa: {  	s21 =	simm.s32 $0x0;
	[sflag:s4] =	ssyncpa.u1 $0x0;
	s5 =	sor.u32 s1, s5  }
0xb: {  	[sflag:s6] =	ssyncpa.u1 $0x0;
	s6 =	simm.s32 $0x4000;
	s11 =	smov.u32 s5  }
.LBB1_7:
0xc: {  	s16 =	sadd.s32 $0x100, s8  }
0xd: {  	s12 =	sadd.s32 $0x8, s9;
	s17 =	smov.u32 s9;
	p2 =	sgt.s32 s16, $0x3FF  }
0xe: {  	s17 =	smov.u32 @p2 s12  }
0xf: {  	s18 =	smov.u32 s10;
	s12 =	sadd.s32 $0x8, s10;
	p3 =	sgt.s32 s17, $0x7  }
0x10: {  	s18 =	smov.u32 @p3 s12  }
0x11: {  	s19 =	smov.u32 s11;
	s12 =	sadd.s32 $0x20, s11;
	p4 =	sgt.s32 s18, $0xF  }
0x12: {  	p1 =	slt.u32 s7, $0x2;
	s19 =	smov.u32 @p4 s12  }
0x13: {  	s7 =	sadd.s32 $0x1, s7;
	s16 =	simm.s32 @p2 $0x0;
	p2 =	sgt.s32 s19, $0x1FF  }
0x14: {  	s20 =	simm.s32 @!p1 $0x2;
	s19 =	smov.u32 @p2 s5;
	p2 =	sne.s32 s7, $0x82  }
.Ltmp1:
0x15: {  	s13 =	smov.u32 s9;
	_ =	swait.ge @!p1 [sflag:s20], $0x4000;
	(pc) =	sbr.rel @!p2 .LBB1_8-.Ltmp1, $4  }
0x16: {  	s15 =	smov.u32 s10;
	s14 =	smov.u32 s11;
	[sflag:s20] =	ssyncset.done @!p1 $0x0  }
0x17: {  	p0 =	por !p0, !p0;
	s17 =	simm.s32 @p3 $0x0;
	[sflag:s20] =	ssyncadd.s32 @!p1 $0xFFFFC000  }
0x18: {  	s9 =	smov.u32 s17;
	s18 =	simm.s32 @p4 $0x0;
	s12 =	smov.u32 s8  }
0x19: {  	s8 =	smov.u32 s16;
	s10 =	smov.u32 s18;
	s11 =	smov.u32 s19  }
.LBB1_1:
0x1a: {  	p1 =	sgt.u32 s7, $0x7F  }
0x1b: {  	s16 =	sxor.u32 @!p1 $0xFFFFFFFF, s7  }
0x1c: {  	s17 =	sshll.u32 @!p1 s9, $0x7;
	s18 =	sand.u32 @!p1 $0x78, s8;
	s19 =	sshll.u32 @!p1 s11, $0xE  }
0x1d: {  	s20 =	sand.u32 @!p1 $0x380, s8;
	s16 =	sshll.u32 @!p1 s16, $0xE;
	s17 =	sand.u32 @!p1 $0x380, s17  }
0x1e: {  	s19 =	sadd.s32 @!p1 s3, s19;
	s17 =	sor.u32 @!p1 s18, s17;
	s18 =	sshll.u32 @!p1 s10, $0xA  }
0x1f: {  	s16 =	sand.u32 @!p1 $0x4000, s16;
	s18 =	sadd.s32 @!p1 s18, s19;
	s19 =	sand.u32 @!p1 $0x7, s8  }
0x20: {  	s17 =	sshrl.u32 @!p1 s17, $0x3;
	s18 =	sadd.s32 @!p1 s20, s18;
	s19 =	sshll.u32 @!p1 s19, $0x12  }
0x21: {  	s17 =	sadd.s32 @!p1 s17, s18;
	s18 =	sor.u32 @!p1 $0x800, s19;
	s19 =	simm.s32 @!p1 $0x2000  }
0x22: {  	[tilespmem:s16], [sflag:$0x1] =	stream.strided.gather @!p1 [hbm4b:s17+s18], $0x4000, s19, s18, $0x38;
	[tilespmem:$0x10000] =	vst v63  }
0x23: {  	p1 =	seq.s32 s7, $0x0  }
0x24: {  	p2 =	seq.s32 @!p1 s7, $0x81  }
0x25: {  	p1 =	por p1, p2  }
.Ltmp2:
0x26: {  	_ = 	snop;
	(pc) =	sbr.rel @p1 .LBB1_7-.Ltmp2, $1  }
0x27: {  	_ =	sdelay $0x3  }
0x28: {  	s16 =	simm.s32 $0x1  }
0x29: {  	_ =	swait.ge [sflag:s4], $0x4000;
	s31 =	sshll.u32 s7, $0xE;
	p1 =	por $0x0, $0x0  }
0x2a: {  	s22 =	simm.s32 $0x0;
	s23 =	simm.s32 $0x0;
	s16 =	simm.s32 @!p0 $0x0  }
0x2b: {  	[sflag:s4] =	ssyncset.done $0x0;
	s19 =	sand.u32 $0x4000, s31;
	s16 =	sshll.u32 s16, $0x10  }
0x2c: {  	[sflag:s4] =	ssyncadd.s32 $0xFFFFC000;
	s20 =	sshrl.u32 s16, $0x2;
	s16 =	sor.u32 $0x8000, s19  }
0x2d: {  	s17 =	sor.u32 $0x40, s20;
	s18 =	sor.u32 $0x8410, s20;
	s20 =	sadd.s32 $0x8400, s20  }
.LBB1_3:
0x2e: {  	v1 =	vld [tilespmem:s17+$0xFFFFFFD0]  }
0x2f: {  	v2 =	vld [tilespmem:s17+$0x430]  }
0x30: {  	s24 =	sshll.u32 s23, $0xB;
	v4 =	vld [tilespmem:s17+$0xFFFFFFE0]  }
0x31: {  	v7 =	vld [tilespmem:s17+$0xFFFFFFF0];
	v0 =	vmov s24  }
0x32: {  	v8 =	vld [tilespmem:s17+$0x0]  }
0x33: {  	s30 =	sand.u32 $0x300, s21;
	v9 =	vld [tilespmem:s17+$0x10]  }
0x34: {  	s25 =	sand.u32 $0x80, s21;
	v10 =	vld [tilespmem:s17+$0x20];
	s24 =	sadd.s32 s30, s19  }
0x35: {  	v11 =	vld [tilespmem:s17+$0x30];
	s24 =	sadd.s32 s25, s24;
	s25 =	simm.s32 $0x1;
	[tilespmem:s18+$0x60] =	vst v2  }
0x36: {  	s31 =	sshll.u32 s22, $0x2;
	s25 =	simm.s32 @!p1 $0x0;
	[tilespmem:s18+$0xFFFFFC00] =	vst v1;
	v3 =	vld.idx.msk [tilespmem:v0+s24+$0x400 ss:$0x1], $0xffff  }
0x37: {  	v6 =	vld [tilespmem:s17+$0x3D0];
	s25 =	sshll.u32 s25, $0x9;
	[tilespmem:s18+$0xFFFFFC10] =	vst v4;
	s24 =	sand.u32 $0xFFFFFC00, s31  }
0x38: {  	v5 =	vld [tilespmem:s17+$0x3E0];
	[tilespmem:s18+$0xFFFFFC20] =	vst v7;
	s24 =	sor.u32 s25, s24  }
0x39: {  	[tilespmem:s18+$0xFFFFFC30] =	vst v8;
	v4 =	vld [tilespmem:s17+$0x400];
	s24 =	sshrl.u32 s24, $0x2  }
0x3a: {  	[tilespmem:s18+$0xFFFFFC40] =	vst v9;
	v1 =	vld [tilespmem:s17+$0x410];
	s24 =	sadd.s32 s24, s20  }
0x3b: {  	[tilespmem:s24+$0x0] =	vst v3;
	v3 =	vld [tilespmem:s17+$0x3F0]  }
0x3c: {  	s28 =	simm.s32 $0x80;
	s27 =	simm.s32 $0x100;
	[tilespmem:s18+$0xFFFFFC50] =	vst v10;
	v2 =	vld [tilespmem:s17+$0x420]  }
0x3d: {  	s26 =	smov.u32 s18;
	s29 =	sand.u32 $0x300, s28;
	v7 =	vld [tilespmem:s17+$0xFFFFFFC0];
	[tilespmem:s18+$0xFFFFFC60] =	vst v11;
	s25 =	sadd.s32 $0x80, s17  }
.LBB1_4:
0x3e: {  	p2 =	sne.s32 s27, $0x380;
	v8 =	vld [tilespmem:s25+$0xFFFFFFD0];
	s28 =	sand.u32 $0x80, s28;
	s29 =	sadd.s32 s29, s19;
	[tilespmem:s26+$0x0] =	vst v6  }
0x3f: {  	s29 =	sadd.s32 s28, s29;
	v6 =	vld [tilespmem:s25+$0x430];
	[tilespmem:s26+$0x10] =	vst v5;
	s28 =	smov.u32 s27  }
0x40: {  	v5 =	vld.idx.msk [tilespmem:v0+s29+$0x400 ss:$0x1], $0xffff;
	[tilespmem:s26+$0x20] =	vst v3  }
0x41: {  	v3 =	vld [tilespmem:s25+$0xFFFFFFE0];
	[tilespmem:s26+$0x30] =	vst v4  }
0x42: {  	v4 =	vld [tilespmem:s25+$0xFFFFFFF0];
	[tilespmem:s26+$0xFFFFFBF0] =	vst v7  }
0x43: {  	v7 =	vld [tilespmem:s25+$0x0];
	[tilespmem:s26+$0x40] =	vst v1  }
0x44: {  	v1 =	vld [tilespmem:s25+$0x10];
	[tilespmem:s26+$0x50] =	vst v2;
	s26 =	sadd.s32 $0x800, s26  }
0x45: {  	s24 =	sadd.s32 $0x800, s24;
	v2 =	vld [tilespmem:s25+$0x20];
	[tilespmem:s26+$0x60] =	vst v6  }
0x46: {  	v9 =	vld [tilespmem:s25+$0x30];
	[tilespmem:s24+$0x0] =	vst v5  }
0x47: {  	[tilespmem:s26+$0xFFFFFC00] =	vst v8;
	v6 =	vld [tilespmem:s25+$0x3D0]  }
0x48: {  	[tilespmem:s26+$0xFFFFFC10] =	vst v3;
	v5 =	vld [tilespmem:s25+$0x3E0]  }
.Ltmp3:
0x49: {  	[tilespmem:s26+$0xFFFFFC20] =	vst v4;
	v3 =	vld [tilespmem:s25+$0x3F0];
	(pc) =	sbr.rel @p2 .LBB1_4-.Ltmp3, $4  }
0x4a: {  	[tilespmem:s26+$0xFFFFFC30] =	vst v7;
	v4 =	vld [tilespmem:s25+$0x400]  }
0x4b: {  	[tilespmem:s26+$0xFFFFFC40] =	vst v1;
	v1 =	vld [tilespmem:s25+$0x410]  }
0x4c: {  	[tilespmem:s26+$0xFFFFFC50] =	vst v2;
	v2 =	vld [tilespmem:s25+$0x420]  }
0x4d: {  	s27 =	sadd.s32 $0x80, s27;
	s29 =	sand.u32 $0x300, s28;
	v7 =	vld [tilespmem:s25+$0xFFFFFFC0];
	[tilespmem:s26+$0xFFFFFC60] =	vst v9;
	s25 =	sadd.s32 $0x80, s25  }
0x4e: {  	[tilespmem:s26+$0x0] =	vst v6  }
0x4f: {  	[tilespmem:s26+$0x10] =	vst v5  }
0x50: {  	v49 =	vld [tilespmem:s25+$0x430];
	[tilespmem:s26+$0x20] =	vst v3  }
0x51: {  	v50 =	vld [tilespmem:s25+$0xFFFFFFD0];
	[tilespmem:s26+$0x30] =	vst v4  }
0x52: {  	v51 =	vld [tilespmem:s25+$0xFFFFFFE0];
	[tilespmem:s26+$0x40] =	vst v1  }
0x53: {  	v52 =	vld [tilespmem:s25+$0xFFFFFFF0];
	[tilespmem:s26+$0x50] =	vst v2  }
0x54: {  	s31 =	sadd.s32 $0x800, s26;
	v53 =	vld [tilespmem:s25+$0x0];
	[tilespmem:s26+$0xFFFFFBF0] =	vst v7  }
0x55: {  	v54 =	vld [tilespmem:s25+$0x10];
	[tilespmem:s31+$0x60] =	vst v49  }
0x56: {  	v55 =	vld [tilespmem:s25+$0x20];
	[tilespmem:s31+$0xFFFFFC00] =	vst v50  }
0x57: {  	v56 =	vld [tilespmem:s25+$0x30];
	[tilespmem:s31+$0xFFFFFC10] =	vst v51  }
0x58: {  	v57 =	vld [tilespmem:s25+$0x3D0];
	[tilespmem:s31+$0xFFFFFC20] =	vst v52  }
0x59: {  	v58 =	vld [tilespmem:s25+$0x3E0];
	[tilespmem:s31+$0xFFFFFC30] =	vst v53  }
0x5a: {  	v59 =	vld [tilespmem:s25+$0x3F0];
	[tilespmem:s31+$0xFFFFFC40] =	vst v54  }
0x5b: {  	v60 =	vld [tilespmem:s25+$0x400];
	[tilespmem:s31+$0xFFFFFC50] =	vst v55  }
0x5c: {  	v61 =	vld [tilespmem:s25+$0xFFFFFFC0];
	[tilespmem:s31+$0xFFFFFC60] =	vst v56  }
0x5d: {  	s27 =	sand.u32 $0x80, s28;
	s30 =	sadd.s32 s29, s19;
	v62 =	vld [tilespmem:s25+$0x410];
	[tilespmem:s31+$0x0] =	vst v57  }
0x5e: {  	v63 =	vld [tilespmem:s25+$0x420];
	s23 =	sadd.s32 $0x1, s23;
	s27 =	sadd.s32 s27, s30;
	[tilespmem:s31+$0x10] =	vst v58  }
0x5f: {  	p2 =	sne.s32 s23, $0x8;
	v0 =	vld.idx.msk [tilespmem:v0+s27+$0x400 ss:$0x1], $0xffff;
	[tilespmem:s31+$0x20] =	vst v59  }
.Ltmp4:
0x60: {  	[tilespmem:s31+$0x30] =	vst v60;
	(pc) =	sbr.rel @p2 .LBB1_3-.Ltmp4, $4  }
0x61: {  	[tilespmem:s31+$0xFFFFFBF0] =	vst v61  }
0x62: {  	[tilespmem:s31+$0x40] =	vst v62  }
0x63: {  	s24 =	sadd.s32 $0x800, s24;
	s17 =	sadd.s32 $0x800, s17;
	[tilespmem:s31+$0x50] =	vst v63  }
0x64: {  	s22 =	sadd.s32 $0x80, s22;
	p1 =	por !p1, !p1;
	s18 =	sadd.s32 $0x80, s18;
	[tilespmem:s24+$0x0] =	vst v0  }
0x65: {  	s15 =	sshll.u32 s15, $0x7  }
0x66: {  	s17 =	sand.u32 $0x78, s12;
	s14 =	sshll.u32 s14, $0xE;
	s13 =	sshll.u32 s13, $0xB  }
0x67: {  	s30 =	sand.u32 $0x7, s12;
	s18 =	sand.u32 $0x380, s15;
	s15 =	sand.u32 $0x400, s15  }
.Ltmp5:
0x68: {  	s14 =	sadd.s32 s2, s14;
	s17 =	sor.u32 s18, s17;
	(pc) =	sbr.rel .LBB1_7-.Ltmp5, $4  }
0x69: {  	s15 =	sadd.s32 s12, s15;
	s13 =	sadd.s32 s13, s14;
	s17 =	sshrl.u32 s17, $0x3  }
0x6a: {  	s12 =	sshll.u32 s30, $0x12;
	s31 =	sand.u32 $0x780, s15;
	s13 =	sadd.s32 s17, s13  }
0x6b: {  	s12 =	sor.u32 $0x800, s12;
	s13 =	sadd.s32 s31, s13  }
0x6c: {  	[hbm4b:s13+s12] =	stream.strided.scatter [tilespmem:s16], [sflag:$0x2], $0x4000, s6, s12, $0x38;
	[tilespmem:$0x10000] =	vst v63  }
.LBB1_8:
0x6d: {  	_ =	sfence.sel $0x180000  }
0x6e: {  	s2 =	simm.s32 $0x1;
	[bflag:$0x0] =	sbarrier.arrive $0xFFFF  }
0x6f: {  	s31 =	simm.s32 $0x2;
	[sflag:s2] =	ssyncpa.u1 $0x1  }
0x70: {  	[sflag:s31] =	ssyncpa.u1 $0x1  }
0x71: {  	p0 =	sne.s32 s1, $0x0;
	_ =	strace $0x9000004D  }
0x72: {  	s0 =	sadd.s32 @!p0 $0x100000, s0;
	[bflag:$0x2] =	sbarrier.arrive $0xFFFF  }
0x73: {  	[sflag:s0] =	ssyncadd.tile.s32 @!p0 $0x1;
	_ =	shalt  }
.Lfunc_end1:
_tile_overlayer_lowered:
.L_overlay_start_2:
0x74: {  	(tag) =	ssettag $0x2  }
0x75: {  	s0 =	rddreg [dreg:$0x0];
	s2 =	stileid.u32  }
0x76: {  	s1 =	rddreg [dreg:$0x1];
	p0 =	sne.s32 s2, $0x0  }
0x77: {  	s3 =	rddreg [dreg:$0x2];
	[bflag:$0x3] =	sbarrier.arrive $0xFFFF;
	s2 =	simm.s32 @!p0 $0x1C01  }
0x78: {  	[timem:s3], [sflag:s2] =	dma.local @!p0 [hbm:s0], s1  }
0x79: {  	s0 =	simm.s32 @!p0 $0x1  }
0x7a: {  	_ =	swait.ge @!p0 [sflag:s0], s1  }
0x7b: {  	s1 =	ssub.s32 @!p0 $0x0, s1;
	[sflag:s0] =	ssyncset.done @!p0 $0x0  }
0x7c: {  	[sflag:s0] =	ssyncadd.s32 @!p0 s1  }
0x7d: {  	[bflag:$0x3] =	sbarrier.arrive $0xFFFF  }
0x7e: {  	_ =	shalt  }

</sc_bundles>
